<compile_context>
chip_gen: v7x
topology: tpu7x:2x2x1
jax: 0.10.2.dev20260603
libtpu: 0.0.44.dev20260713+nightly
codegen_flags: <defaults>
</compile_context>

<pallas_src>
import jax
import jax.numpy as jnp
from jax import lax
from jax.experimental import pallas as pl
from jax.experimental.pallas import tpu as pltpu
from jax.experimental.pallas import tpu_sc as plsc

_NC = 2
_NS = 16
_NW = _NC * _NS
_LANES = 16

_M, _N = 16384, 2048
_SC_ROWS = 4096
_TC_ROWS = _M - _SC_ROWS
_ROWS_PER_TILE = _SC_ROWS // _NW
_CROWS = 8
_NCHUNK = _ROWS_PER_TILE // _CROWS
_NBUF = 4
_NGRP = _NCHUNK // _NBUF


def _compute_chunk(buf):
    for r in range(_CROWS):
        @plsc.parallel_loop(0, _N // _LANES, unroll=8)
        def _(j):
            sl = pl.ds(j * _LANES, _LANES)
            buf[r, sl] = jnp.maximum(buf[r, sl], 0.0)


def _relu_tile(x_hbm, o_hbm, *scratch):
    bufs = scratch[0:_NBUF]
    in_sems = scratch[_NBUF:2 * _NBUF]
    out_sems = scratch[2 * _NBUF:3 * _NBUF]

    wid = lax.axis_index("s") * _NC + lax.axis_index("c")
    base = _TC_ROWS + wid * _ROWS_PER_TILE

    def rows(c):
        return pl.ds(base + c * _CROWS, _CROWS)

    for c0 in range(2):
        pltpu.async_copy(x_hbm.at[rows(c0)], bufs[c0], in_sems[c0])

    def body(g, carry):
        for b in range(_NBUF):
            c = g * _NBUF + b
            bt = (b + 2) % _NBUF

            @pl.when(c + 2 < _NCHUNK)
            def _prefetch():
                @pl.when(c >= 2)
                def _drain():
                    pltpu.make_async_copy(
                        bufs[bt], o_hbm.at[rows(c - 2)], out_sems[bt]).wait()
                pltpu.async_copy(x_hbm.at[rows(c + 2)], bufs[bt], in_sems[bt])

            pltpu.make_async_copy(x_hbm.at[rows(c)], bufs[b],
                                  in_sems[b]).wait()
            _compute_chunk(bufs[b])
            pltpu.async_copy(bufs[b], o_hbm.at[rows(c)], out_sems[b])
        return carry

    lax.fori_loop(0, _NGRP, body, 0)

    for c in range(_NCHUNK - _NBUF, _NCHUNK):
        b = c % _NBUF
        pltpu.make_async_copy(bufs[b], o_hbm.at[rows(c)], out_sems[b]).wait()


def _sc_relu_tail(x):
    mesh = plsc.VectorSubcoreMesh(core_axis_name="c", subcore_axis_name="s")
    return pl.kernel(
        _relu_tile,
        out_type=jax.ShapeDtypeStruct((_M, _N), jnp.float32),
        mesh=mesh,
        scratch_types=(
            [pltpu.VMEM((_CROWS, _N), jnp.float32) for _ in range(_NBUF)]
            + [pltpu.SemaphoreType.DMA for _ in range(2 * _NBUF)]
        ),
    )(x)


def _tc_block(x_ref, y_ref, o_ref):
    del y_ref
    o_ref[...] = jnp.maximum(x_ref[...], 0.0)


def _tc_relu_head(x, y):
    block_m = 1024
    return pl.pallas_call(
        _tc_block,
        grid=(_TC_ROWS // block_m,),
        in_specs=[
            pl.BlockSpec((block_m, _N), lambda i: (i, 0)),
            pl.BlockSpec(memory_space=pltpu.HBM),
        ],
        out_specs=pl.BlockSpec((block_m, _N), lambda i: (i, 0)),
        out_shape=jax.ShapeDtypeStruct((_M, _N), jnp.float32),
        input_output_aliases={1: 0},
    )(x, y)


@jax.jit
def _hybrid_relu(x):
    y = _sc_relu_tail(x)
    return _tc_relu_head(x, y)


def kernel(input):
    return _hybrid_relu(input)

# --- scband reference (transcript-rebuilt; emitter-appended) ---
"""Pipeline reference for scband-white-activation-28406913696441 (READ-ONLY COPY).

The authoritative reference and input builder live on the scoring server;
editing this copy changes nothing except your own understanding.
"""

import jax, jax.numpy as jnp
import numpy as np


def setup_inputs(seed: int = 0) -> dict:
    key = jax.random.key(seed)
    x = jax.random.normal(key, (16384, 2048), dtype=jnp.float32)
    return {"input": x}


def reference(input):
    # WhiteActivation in Forward_Mode.normal simply applies the configured
    # activate_function (relu here) to the input: out = activate_function(input).
    return jax.nn.relu(input)

if __name__ == "__main__":
    import jax
    _d = setup_inputs()
    print(jax.jit(kernel)(*tuple(_d.values())))

</pallas_src>

<mosaic_0001>
#map = affine_map<(d0, d1) -> (0, 0)>
module attributes {stable_mosaic.version = 14 : i64} {
  func.func @_relu_tile(%arg0: i32, %arg1: i32, %arg2: memref<16384x2048xf32, #tpu.memory_space<hbm>>, %arg3: memref<16384x2048xf32, #tpu.memory_space<hbm>>, %arg4: memref<8x2048xf32, #tpu.memory_space<vmem>>, %arg5: memref<8x2048xf32, #tpu.memory_space<vmem>>, %arg6: memref<8x2048xf32, #tpu.memory_space<vmem>>, %arg7: memref<8x2048xf32, #tpu.memory_space<vmem>>, %arg8: memref<!tpu.dma_semaphore, #tpu.memory_space<semaphore_mem>>, %arg9: memref<!tpu.dma_semaphore, #tpu.memory_space<semaphore_mem>>, %arg10: memref<!tpu.dma_semaphore, #tpu.memory_space<semaphore_mem>>, %arg11: memref<!tpu.dma_semaphore, #tpu.memory_space<semaphore_mem>>, %arg12: memref<!tpu.dma_semaphore, #tpu.memory_space<semaphore_mem>>, %arg13: memref<!tpu.dma_semaphore, #tpu.memory_space<semaphore_mem>>, %arg14: memref<!tpu.dma_semaphore, #tpu.memory_space<semaphore_mem>>, %arg15: memref<!tpu.dma_semaphore, #tpu.memory_space<semaphore_mem>>) attributes {dimension_semantics = [#tpu.dimension_semantics<core_parallel>, #tpu.dimension_semantics<subcore_parallel>], iteration_bounds = array<i64: 2, 16>, scalar_prefetch = 0 : i64, scratch_operands = 12 : i64, tpu.core_type = #tpu.core_type<sc_vector_subcore>, window_params = [{transform_indices = #map}, {transform_indices = #map}]} {
    %mul3A = arith.constant 2 : i32
    %mul3A_0 = arith.muli %arg1, %mul3A : i32
    %add3A = arith.addi %mul3A_0, %arg0 : i32
    %mul3A_1 = arith.constant 128 : i32
    %mul3A_2 = arith.muli %add3A, %mul3A_1 : i32
    %add3A_3 = arith.constant 12288 : i32
    %add3A_4 = arith.addi %add3A_3, %mul3A_2 : i32
    %add3A_5 = arith.constant 0 : i32
    %add3A_6 = arith.addi %add3A_4, %add3A_5 : i32
    %dma_start3A = arith.constant 0 : i32
    %dma_start3A_7 = tpu.memref_slice %arg2[%add3A_6, %dma_start3A] : memref<16384x2048xf32, #tpu.memory_space<hbm>> -> memref<8x2048xf32, #tpu.memory_space<hbm>>
    %dma_start3A_8 = arith.constant 0 : i32
    %dma_start3A_9 = tpu.memref_slice %arg2[%add3A_6, %dma_start3A_8] : memref<16384x2048xf32, #tpu.memory_space<hbm>> -> memref<8x2048xf32, #tpu.memory_space<hbm>>
    tpu.enqueue_dma source(%dma_start3A_9 : memref<8x2048xf32, #tpu.memory_space<hbm>>) target(%arg4 : memref<8x2048xf32, #tpu.memory_space<vmem>>) target_semaphore(%arg8 : memref<!tpu.dma_semaphore, #tpu.memory_space<semaphore_mem>>)
    %add3A_10 = arith.constant 8 : i32
    %add3A_11 = arith.addi %add3A_4, %add3A_10 : i32
    %dma_start3A_12 = arith.constant 0 : i32
    %dma_start3A_13 = tpu.memref_slice %arg2[%add3A_11, %dma_start3A_12] : memref<16384x2048xf32, #tpu.memory_space<hbm>> -> memref<8x2048xf32, #tpu.memory_space<hbm>>
    %dma_start3A_14 = arith.constant 0 : i32
    %dma_start3A_15 = tpu.memref_slice %arg2[%add3A_11, %dma_start3A_14] : memref<16384x2048xf32, #tpu.memory_space<hbm>> -> memref<8x2048xf32, #tpu.memory_space<hbm>>
    tpu.enqueue_dma source(%dma_start3A_15 : memref<8x2048xf32, #tpu.memory_space<hbm>>) target(%arg5 : memref<8x2048xf32, #tpu.memory_space<vmem>>) target_semaphore(%arg9 : memref<!tpu.dma_semaphore, #tpu.memory_space<semaphore_mem>>)
    %scan3A = arith.constant 0 : i32
    %scan3A_16 = arith.constant 0 : i32
    %scan3A_17 = arith.constant 4 : i32
    %scan3A_18 = arith.addi %scan3A_16, %scan3A_17 : i32
    %scan3A_19 = arith.constant 1 : i32
    scf.for %scan3A_44 = %scan3A_16 to %scan3A_18 step %scan3A_19  : i32 {
      %mul3A_45 = arith.constant 4 : i32
      %mul3A_46 = arith.muli %scan3A_44, %mul3A_45 : i32
      %add3A_47 = arith.constant 0 : i32
      %add3A_48 = arith.addi %mul3A_46, %add3A_47 : i32
      %add3A_49 = arith.constant 2 : i32
      %add3A_50 = arith.addi %add3A_48, %add3A_49 : i32
      %lt3A = arith.constant 16 : i32
      %lt3A_51 = arith.cmpi slt, %add3A_50, %lt3A : i32
      %convert_element_type3A = arith.extui %lt3A_51 : i1 to i32
      %cond3A = arith.constant 0 : i32
      %cond3A_52 = arith.cmpi ne, %convert_element_type3A, %cond3A : i32
      scf.if %cond3A_52 {
        %ge3A = arith.constant 2 : i32
        %ge3A_237 = arith.cmpi sge, %add3A_48, %ge3A : i32
        %convert_element_type3A_238 = arith.extui %ge3A_237 : i1 to i32
        %cond3A_239 = arith.constant 0 : i32
        %cond3A_240 = arith.cmpi ne, %convert_element_type3A_238, %cond3A_239 : i32
        scf.if %cond3A_240 {
          %sub3A = arith.constant 2 : i32
          %sub3A_250 = arith.subi %add3A_48, %sub3A : i32
          %mul3A_251 = arith.constant 8 : i32
          %mul3A_252 = arith.muli %sub3A_250, %mul3A_251 : i32
          %add3A_253 = arith.addi %add3A_4, %mul3A_252 : i32
          %dma_wait3A_254 = arith.constant 0 : i32
          %dma_wait3A_255 = tpu.memref_slice %arg3[%add3A_253, %dma_wait3A_254] : memref<16384x2048xf32, #tpu.memory_space<hbm>> -> memref<8x2048xf32, #tpu.memory_space<hbm>>
          %dma_wait3A_256 = arith.constant 0 : i32
          %dma_wait3A_257 = tpu.memref_slice %arg3[%add3A_253, %dma_wait3A_256] : memref<16384x2048xf32, #tpu.memory_space<hbm>> -> memref<8x2048xf32, #tpu.memory_space<hbm>>
          tpu.wait_dma2 semaphore(%arg14 : memref<!tpu.dma_semaphore, #tpu.memory_space<semaphore_mem>>) src(%arg6 : memref<8x2048xf32, #tpu.memory_space<vmem>>) dst(%dma_wait3A_257 : memref<8x2048xf32, #tpu.memory_space<hbm>>)
        } else {
        }
        %add3A_241 = arith.constant 2 : i32
        %add3A_242 = arith.addi %add3A_48, %add3A_241 : i32
        %mul3A_243 = arith.constant 8 : i32
        %mul3A_244 = arith.muli %add3A_242, %mul3A_243 : i32
        %add3A_245 = arith.addi %add3A_4, %mul3A_244 : i32
        %dma_start3A_246 = arith.constant 0 : i32
        %dma_start3A_247 = tpu.memref_slice %arg2[%add3A_245, %dma_start3A_246] : memref<16384x2048xf32, #tpu.memory_space<hbm>> -> memref<8x2048xf32, #tpu.memory_space<hbm>>
        %dma_start3A_248 = arith.constant 0 : i32
        %dma_start3A_249 = tpu.memref_slice %arg2[%add3A_245, %dma_start3A_248] : memref<16384x2048xf32, #tpu.memory_space<hbm>> -> memref<8x2048xf32, #tpu.memory_space<hbm>>
        tpu.enqueue_dma source(%dma_start3A_249 : memref<8x2048xf32, #tpu.memory_space<hbm>>) target(%arg6 : memref<8x2048xf32, #tpu.memory_space<vmem>>) target_semaphore(%arg10 : memref<!tpu.dma_semaphore, #tpu.memory_space<semaphore_mem>>)
      } else {
      }
      %mul3A_53 = arith.constant 8 : i32
      %mul3A_54 = arith.muli %add3A_48, %mul3A_53 : i32
      %add3A_55 = arith.addi %add3A_4, %mul3A_54 : i32
      %dma_wait3A_56 = arith.constant 0 : i32
      %dma_wait3A_57 = tpu.memref_slice %arg2[%add3A_55, %dma_wait3A_56] : memref<16384x2048xf32, #tpu.memory_space<hbm>> -> memref<8x2048xf32, #tpu.memory_space<hbm>>
      %dma_wait3A_58 = arith.constant 0 : i32
      %dma_wait3A_59 = tpu.memref_slice %arg2[%add3A_55, %dma_wait3A_58] : memref<16384x2048xf32, #tpu.memory_space<hbm>> -> memref<8x2048xf32, #tpu.memory_space<hbm>>
      tpu.wait_dma2 semaphore(%arg8 : memref<!tpu.dma_semaphore, #tpu.memory_space<semaphore_mem>>) src(%dma_wait3A_59 : memref<8x2048xf32, #tpu.memory_space<hbm>>) dst(%arg4 : memref<8x2048xf32, #tpu.memory_space<vmem>>)
      %parallel_loop3A = arith.constant 0 : i32
      %parallel_loop3A_60 = arith.constant 128 : i32
      %parallel_loop3A_61 = arith.constant 1 : i32
      scf.for %parallel_loop3A_237 = %parallel_loop3A to %parallel_loop3A_60 step %parallel_loop3A_61  : i32 {
        %parallel_loop3A_238 = arith.constant 16 : i32
        %parallel_loop3A_239 = arith.muli %parallel_loop3A_237, %parallel_loop3A_238 : i32
        %parallel_loop3A_240 = arith.constant 0 : i32
        %parallel_loop3A_241 = arith.index_cast %parallel_loop3A_240 : i32 to index
        %parallel_loop3A_242 = arith.index_cast %parallel_loop3A_239 : i32 to index
        %parallel_loop3A_243 = tpu.vector_load %arg4[%parallel_loop3A_241, %parallel_loop3A_242] {strides = array<i32>} : memref<8x2048xf32, #tpu.memory_space<vmem>>, vector<1x16xf32>,
        %parallel_loop3A_244 = vector.shape_cast %parallel_loop3A_243 : vector<1x16xf32> to vector<16xf32>
        %parallel_loop3A_245 = arith.constant 0.000000e+00 : f32
        %parallel_loop3A_246 = vector.broadcast %parallel_loop3A_245 : f32 to vector<16xf32>
        %parallel_loop3A_247 = arith.maximumf %parallel_loop3A_244, %parallel_loop3A_246 : vector<16xf32>
        %parallel_loop3A_248 = arith.constant 0 : i32
        %parallel_loop3A_249 = arith.index_cast %parallel_loop3A_248 : i32 to index
        %parallel_loop3A_250 = arith.index_cast %parallel_loop3A_239 : i32 to index
        %parallel_loop3A_251 = tpu.vector_load %arg4[%parallel_loop3A_249, %parallel_loop3A_250] {strides = array<i32>} : memref<8x2048xf32, #tpu.memory_space<vmem>>, vector<1x16xf32>,
        %parallel_loop3A_252 = vector.shape_cast %parallel_loop3A_251 : vector<1x16xf32> to vector<16xf32>
        %parallel_loop3A_253 = vector.shape_cast %parallel_loop3A_247 : vector<16xf32> to vector<1x16xf32>
        tpu.vector_store %arg4[%parallel_loop3A_249, %parallel_loop3A_250], %parallel_loop3A_253 {strides = array<i32>} : memref<8x2048xf32, #tpu.memory_space<vmem>>, vector<1x16xf32>,
      } {sc.loop_unroll_factor = 8 : i64, sc.parallel_access}
      %parallel_loop3A_62 = arith.constant 0 : i32
      %parallel_loop3A_63 = arith.constant 128 : i32
      %parallel_loop3A_64 = arith.constant 1 : i32
      scf.for %parallel_loop3A_237 = %parallel_loop3A_62 to %parallel_loop3A_63 step %parallel_loop3A_64  : i32 {
        %parallel_loop3A_238 = arith.constant 16 : i32
        %parallel_loop3A_239 = arith.muli %parallel_loop3A_237, %parallel_loop3A_238 : i32
        %parallel_loop3A_240 = arith.constant 1 : i32
        %parallel_loop3A_241 = arith.index_cast %parallel_loop3A_240 : i32 to index
        %parallel_loop3A_242 = arith.index_cast %parallel_loop3A_239 : i32 to index
        %parallel_loop3A_243 = tpu.vector_load %arg4[%parallel_loop3A_241, %parallel_loop3A_242] {strides = array<i32>} : memref<8x2048xf32, #tpu.memory_space<vmem>>, vector<1x16xf32>,
        %parallel_loop3A_244 = vector.shape_cast %parallel_loop3A_243 : vector<1x16xf32> to vector<16xf32>
        %parallel_loop3A_245 = arith.constant 0.000000e+00 : f32
        %parallel_loop3A_246 = vector.broadcast %parallel_loop3A_245 : f32 to vector<16xf32>
        %parallel_loop3A_247 = arith.maximumf %parallel_loop3A_244, %parallel_loop3A_246 : vector<16xf32>
        %parallel_loop3A_248 = arith.constant 1 : i32
        %parallel_loop3A_249 = arith.index_cast %parallel_loop3A_248 : i32 to index
        %parallel_loop3A_250 = arith.index_cast %parallel_loop3A_239 : i32 to index
        %parallel_loop3A_251 = tpu.vector_load %arg4[%parallel_loop3A_249, %parallel_loop3A_250] {strides = array<i32>} : memref<8x2048xf32, #tpu.memory_space<vmem>>, vector<1x16xf32>,
        %parallel_loop3A_252 = vector.shape_cast %parallel_loop3A_251 : vector<1x16xf32> to vector<16xf32>
        %parallel_loop3A_253 = vector.shape_cast %parallel_loop3A_247 : vector<16xf32> to vector<1x16xf32>
        tpu.vector_store %arg4[%parallel_loop3A_249, %parallel_loop3A_250], %parallel_loop3A_253 {strides = array<i32>} : memref<8x2048xf32, #tpu.memory_space<vmem>>, vector<1x16xf32>,
      } {sc.loop_unroll_factor = 8 : i64, sc.parallel_access}
      %parallel_loop3A_65 = arith.constant 0 : i32
      %parallel_loop3A_66 = arith.constant 128 : i32
      %parallel_loop3A_67 = arith.constant 1 : i32
      scf.for %parallel_loop3A_237 = %parallel_loop3A_65 to %parallel_loop3A_66 step %parallel_loop3A_67  : i32 {
        %parallel_loop3A_238 = arith.constant 16 : i32
        %parallel_loop3A_239 = arith.muli %parallel_loop3A_237, %parallel_loop3A_238 : i32
        %parallel_loop3A_240 = arith.constant 2 : i32
        %parallel_loop3A_241 = arith.index_cast %parallel_loop3A_240 : i32 to index
        %parallel_loop3A_242 = arith.index_cast %parallel_loop3A_239 : i32 to index
        %parallel_loop3A_243 = tpu.vector_load %arg4[%parallel_loop3A_241, %parallel_loop3A_242] {strides = array<i32>} : memref<8x2048xf32, #tpu.memory_space<vmem>>, vector<1x16xf32>,
        %parallel_loop3A_244 = vector.shape_cast %parallel_loop3A_243 : vector<1x16xf32> to vector<16xf32>
        %parallel_loop3A_245 = arith.constant 0.000000e+00 : f32
        %parallel_loop3A_246 = vector.broadcast %parallel_loop3A_245 : f32 to vector<16xf32>
        %parallel_loop3A_247 = arith.maximumf %parallel_loop3A_244, %parallel_loop3A_246 : vector<16xf32>
        %parallel_loop3A_248 = arith.constant 2 : i32
        %parallel_loop3A_249 = arith.index_cast %parallel_loop3A_248 : i32 to index
        %parallel_loop3A_250 = arith.index_cast %parallel_loop3A_239 : i32 to index
        %parallel_loop3A_251 = tpu.vector_load %arg4[%parallel_loop3A_249, %parallel_loop3A_250] {strides = array<i32>} : memref<8x2048xf32, #tpu.memory_space<vmem>>, vector<1x16xf32>,
        %parallel_loop3A_252 = vector.shape_cast %parallel_loop3A_251 : vector<1x16xf32> to vector<16xf32>
        %parallel_loop3A_253 = vector.shape_cast %parallel_loop3A_247 : vector<16xf32> to vector<1x16xf32>
        tpu.vector_store %arg4[%parallel_loop3A_249, %parallel_loop3A_250], %parallel_loop3A_253 {strides = array<i32>} : memref<8x2048xf32, #tpu.memory_space<vmem>>, vector<1x16xf32>,
      } {sc.loop_unroll_factor = 8 : i64, sc.parallel_access}
      %parallel_loop3A_68 = arith.constant 0 : i32
      %parallel_loop3A_69 = arith.constant 128 : i32
      %parallel_loop3A_70 = arith.constant 1 : i32
      scf.for %parallel_loop3A_237 = %parallel_loop3A_68 to %parallel_loop3A_69 step %parallel_loop3A_70  : i32 {
        %parallel_loop3A_238 = arith.constant 16 : i32
        %parallel_loop3A_239 = arith.muli %parallel_loop3A_237, %parallel_loop3A_238 : i32
        %parallel_loop3A_240 = arith.constant 3 : i32
        %parallel_loop3A_241 = arith.index_cast %parallel_loop3A_240 : i32 to index
        %parallel_loop3A_242 = arith.index_cast %parallel_loop3A_239 : i32 to index
        %parallel_loop3A_243 = tpu.vector_load %arg4[%parallel_loop3A_241, %parallel_loop3A_242] {strides = array<i32>} : memref<8x2048xf32, #tpu.memory_space<vmem>>, vector<1x16xf32>,
        %parallel_loop3A_244 = vector.shape_cast %parallel_loop3A_243 : vector<1x16xf32> to vector<16xf32>
        %parallel_loop3A_245 = arith.constant 0.000000e+00 : f32
        %parallel_loop3A_246 = vector.broadcast %parallel_loop3A_245 : f32 to vector<16xf32>
        %parallel_loop3A_247 = arith.maximumf %parallel_loop3A_244, %parallel_loop3A_246 : vector<16xf32>
        %parallel_loop3A_248 = arith.constant 3 : i32
        %parallel_loop3A_249 = arith.index_cast %parallel_loop3A_248 : i32 to index
        %parallel_loop3A_250 = arith.index_cast %parallel_loop3A_239 : i32 to index
        %parallel_loop3A_251 = tpu.vector_load %arg4[%parallel_loop3A_249, %parallel_loop3A_250] {strides = array<i32>} : memref<8x2048xf32, #tpu.memory_space<vmem>>, vector<1x16xf32>,
        %parallel_loop3A_252 = vector.shape_cast %parallel_loop3A_251 : vector<1x16xf32> to vector<16xf32>
        %parallel_loop3A_253 = vector.shape_cast %parallel_loop3A_247 : vector<16xf32> to vector<1x16xf32>
        tpu.vector_store %arg4[%parallel_loop3A_249, %parallel_loop3A_250], %parallel_loop3A_253 {strides = array<i32>} : memref<8x2048xf32, #tpu.memory_space<vmem>>, vector<1x16xf32>,
      } {sc.loop_unroll_factor = 8 : i64, sc.parallel_access}
      %parallel_loop3A_71 = arith.constant 0 : i32
      %parallel_loop3A_72 = arith.constant 128 : i32
      %parallel_loop3A_73 = arith.constant 1 : i32
      scf.for %parallel_loop3A_237 = %parallel_loop3A_71 to %parallel_loop3A_72 step %parallel_loop3A_73  : i32 {
        %parallel_loop3A_238 = arith.constant 16 : i32
        %parallel_loop3A_239 = arith.muli %parallel_loop3A_237, %parallel_loop3A_238 : i32
        %parallel_loop3A_240 = arith.constant 4 : i32
        %parallel_loop3A_241 = arith.index_cast %parallel_loop3A_240 : i32 to index
        %parallel_loop3A_242 = arith.index_cast %parallel_loop3A_239 : i32 to index
        %parallel_loop3A_243 = tpu.vector_load %arg4[%parallel_loop3A_241, %parallel_loop3A_242] {strides = array<i32>} : memref<8x2048xf32, #tpu.memory_space<vmem>>, vector<1x16xf32>,
        %parallel_loop3A_244 = vector.shape_cast %parallel_loop3A_243 : vector<1x16xf32> to vector<16xf32>
        %parallel_loop3A_245 = arith.constant 0.000000e+00 : f32
        %parallel_loop3A_246 = vector.broadcast %parallel_loop3A_245 : f32 to vector<16xf32>
        %parallel_loop3A_247 = arith.maximumf %parallel_loop3A_244, %parallel_loop3A_246 : vector<16xf32>
        %parallel_loop3A_248 = arith.constant 4 : i32
        %parallel_loop3A_249 = arith.index_cast %parallel_loop3A_248 : i32 to index
        %parallel_loop3A_250 = arith.index_cast %parallel_loop3A_239 : i32 to index
        %parallel_loop3A_251 = tpu.vector_load %arg4[%parallel_loop3A_249, %parallel_loop3A_250] {strides = array<i32>} : memref<8x2048xf32, #tpu.memory_space<vmem>>, vector<1x16xf32>,
        %parallel_loop3A_252 = vector.shape_cast %parallel_loop3A_251 : vector<1x16xf32> to vector<16xf32>
        %parallel_loop3A_253 = vector.shape_cast %parallel_loop3A_247 : vector<16xf32> to vector<1x16xf32>
        tpu.vector_store %arg4[%parallel_loop3A_249, %parallel_loop3A_250], %parallel_loop3A_253 {strides = array<i32>} : memref<8x2048xf32, #tpu.memory_space<vmem>>, vector<1x16xf32>,
      } {sc.loop_unroll_factor = 8 : i64, sc.parallel_access}
      %parallel_loop3A_74 = arith.constant 0 : i32
      %parallel_loop3A_75 = arith.constant 128 : i32
      %parallel_loop3A_76 = arith.constant 1 : i32
      scf.for %parallel_loop3A_237 = %parallel_loop3A_74 to %parallel_loop3A_75 step %parallel_loop3A_76  : i32 {
        %parallel_loop3A_238 = arith.constant 16 : i32
        %parallel_loop3A_239 = arith.muli %parallel_loop3A_237, %parallel_loop3A_238 : i32
        %parallel_loop3A_240 = arith.constant 5 : i32
        %parallel_loop3A_241 = arith.index_cast %parallel_loop3A_240 : i32 to index
        %parallel_loop3A_242 = arith.index_cast %parallel_loop3A_239 : i32 to index
        %parallel_loop3A_243 = tpu.vector_load %arg4[%parallel_loop3A_241, %parallel_loop3A_242] {strides = array<i32>} : memref<8x2048xf32, #tpu.memory_space<vmem>>, vector<1x16xf32>,
        %parallel_loop3A_244 = vector.shape_cast %parallel_loop3A_243 : vector<1x16xf32> to vector<16xf32>
        %parallel_loop3A_245 = arith.constant 0.000000e+00 : f32
        %parallel_loop3A_246 = vector.broadcast %parallel_loop3A_245 : f32 to vector<16xf32>
        %parallel_loop3A_247 = arith.maximumf %parallel_loop3A_244, %parallel_loop3A_246 : vector<16xf32>
        %parallel_loop3A_248 = arith.constant 5 : i32
        %parallel_loop3A_249 = arith.index_cast %parallel_loop3A_248 : i32 to index
        %parallel_loop3A_250 = arith.index_cast %parallel_loop3A_239 : i32 to index
        %parallel_loop3A_251 = tpu.vector_load %arg4[%parallel_loop3A_249, %parallel_loop3A_250] {strides = array<i32>} : memref<8x2048xf32, #tpu.memory_space<vmem>>, vector<1x16xf32>,
        %parallel_loop3A_252 = vector.shape_cast %parallel_loop3A_251 : vector<1x16xf32> to vector<16xf32>
        %parallel_loop3A_253 = vector.shape_cast %parallel_loop3A_247 : vector<16xf32> to vector<1x16xf32>
        tpu.vector_store %arg4[%parallel_loop3A_249, %parallel_loop3A_250], %parallel_loop3A_253 {strides = array<i32>} : memref<8x2048xf32, #tpu.memory_space<vmem>>, vector<1x16xf32>,
      } {sc.loop_unroll_factor = 8 : i64, sc.parallel_access}
      %parallel_loop3A_77 = arith.constant 0 : i32
      %parallel_loop3A_78 = arith.constant 128 : i32
      %parallel_loop3A_79 = arith.constant 1 : i32
      scf.for %parallel_loop3A_237 = %parallel_loop3A_77 to %parallel_loop3A_78 step %parallel_loop3A_79  : i32 {
        %parallel_loop3A_238 = arith.constant 16 : i32
        %parallel_loop3A_239 = arith.muli %parallel_loop3A_237, %parallel_loop3A_238 : i32
        %parallel_loop3A_240 = arith.constant 6 : i32
        %parallel_loop3A_241 = arith.index_cast %parallel_loop3A_240 : i32 to index
        %parallel_loop3A_242 = arith.index_cast %parallel_loop3A_239 : i32 to index
        %parallel_loop3A_243 = tpu.vector_load %arg4[%parallel_loop3A_241, %parallel_loop3A_242] {strides = array<i32>} : memref<8x2048xf32, #tpu.memory_space<vmem>>, vector<1x16xf32>,
        %parallel_loop3A_244 = vector.shape_cast %parallel_loop3A_243 : vector<1x16xf32> to vector<16xf32>
        %parallel_loop3A_245 = arith.constant 0.000000e+00 : f32
        %parallel_loop3A_246 = vector.broadcast %parallel_loop3A_245 : f32 to vector<16xf32>
        %parallel_loop3A_247 = arith.maximumf %parallel_loop3A_244, %parallel_loop3A_246 : vector<16xf32>
        %parallel_loop3A_248 = arith.constant 6 : i32
        %parallel_loop3A_249 = arith.index_cast %parallel_loop3A_248 : i32 to index
        %parallel_loop3A_250 = arith.index_cast %parallel_loop3A_239 : i32 to index
        %parallel_loop3A_251 = tpu.vector_load %arg4[%parallel_loop3A_249, %parallel_loop3A_250] {strides = array<i32>} : memref<8x2048xf32, #tpu.memory_space<vmem>>, vector<1x16xf32>,
        %parallel_loop3A_252 = vector.shape_cast %parallel_loop3A_251 : vector<1x16xf32> to vector<16xf32>
        %parallel_loop3A_253 = vector.shape_cast %parallel_loop3A_247 : vector<16xf32> to vector<1x16xf32>
        tpu.vector_store %arg4[%parallel_loop3A_249, %parallel_loop3A_250], %parallel_loop3A_253 {strides = array<i32>} : memref<8x2048xf32, #tpu.memory_space<vmem>>, vector<1x16xf32>,
      } {sc.loop_unroll_factor = 8 : i64, sc.parallel_access}
      %parallel_loop3A_80 = arith.constant 0 : i32
      %parallel_loop3A_81 = arith.constant 128 : i32
      %parallel_loop3A_82 = arith.constant 1 : i32
      scf.for %parallel_loop3A_237 = %parallel_loop3A_80 to %parallel_loop3A_81 step %parallel_loop3A_82  : i32 {
        %parallel_loop3A_238 = arith.constant 16 : i32
        %parallel_loop3A_239 = arith.muli %parallel_loop3A_237, %parallel_loop3A_238 : i32
        %parallel_loop3A_240 = arith.constant 7 : i32
        %parallel_loop3A_241 = arith.index_cast %parallel_loop3A_240 : i32 to index
        %parallel_loop3A_242 = arith.index_cast %parallel_loop3A_239 : i32 to index
        %parallel_loop3A_243 = tpu.vector_load %arg4[%parallel_loop3A_241, %parallel_loop3A_242] {strides = array<i32>} : memref<8x2048xf32, #tpu.memory_space<vmem>>, vector<1x16xf32>,
        %parallel_loop3A_244 = vector.shape_cast %parallel_loop3A_243 : vector<1x16xf32> to vector<16xf32>
        %parallel_loop3A_245 = arith.constant 0.000000e+00 : f32
        %parallel_loop3A_246 = vector.broadcast %parallel_loop3A_245 : f32 to vector<16xf32>
        %parallel_loop3A_247 = arith.maximumf %parallel_loop3A_244, %parallel_loop3A_246 : vector<16xf32>
        %parallel_loop3A_248 = arith.constant 7 : i32
        %parallel_loop3A_249 = arith.index_cast %parallel_loop3A_248 : i32 to index
        %parallel_loop3A_250 = arith.index_cast %parallel_loop3A_239 : i32 to index
        %parallel_loop3A_251 = tpu.vector_load %arg4[%parallel_loop3A_249, %parallel_loop3A_250] {strides = array<i32>} : memref<8x2048xf32, #tpu.memory_space<vmem>>, vector<1x16xf32>,
        %parallel_loop3A_252 = vector.shape_cast %parallel_loop3A_251 : vector<1x16xf32> to vector<16xf32>
        %parallel_loop3A_253 = vector.shape_cast %parallel_loop3A_247 : vector<16xf32> to vector<1x16xf32>
        tpu.vector_store %arg4[%parallel_loop3A_249, %parallel_loop3A_250], %parallel_loop3A_253 {strides = array<i32>} : memref<8x2048xf32, #tpu.memory_space<vmem>>, vector<1x16xf32>,
      } {sc.loop_unroll_factor = 8 : i64, sc.parallel_access}
      %mul3A_83 = arith.constant 8 : i32
      %mul3A_84 = arith.muli %add3A_48, %mul3A_83 : i32
      %add3A_85 = arith.addi %add3A_4, %mul3A_84 : i32
      %dma_start3A_86 = arith.constant 0 : i32
      %dma_start3A_87 = tpu.memref_slice %arg3[%add3A_85, %dma_start3A_86] : memref<16384x2048xf32, #tpu.memory_space<hbm>> -> memref<8x2048xf32, #tpu.memory_space<hbm>>
      %dma_start3A_88 = arith.constant 0 : i32
      %dma_start3A_89 = tpu.memref_slice %arg3[%add3A_85, %dma_start3A_88] : memref<16384x2048xf32, #tpu.memory_space<hbm>> -> memref<8x2048xf32, #tpu.memory_space<hbm>>
      tpu.enqueue_dma source(%arg4 : memref<8x2048xf32, #tpu.memory_space<vmem>>) target(%dma_start3A_89 : memref<8x2048xf32, #tpu.memory_space<hbm>>) target_semaphore(%arg12 : memref<!tpu.dma_semaphore, #tpu.memory_space<semaphore_mem>>)
      %mul3A_90 = arith.constant 4 : i32
      %mul3A_91 = arith.muli %scan3A_44, %mul3A_90 : i32
      %add3A_92 = arith.constant 1 : i32
      %add3A_93 = arith.addi %mul3A_91, %add3A_92 : i32
      %add3A_94 = arith.constant 2 : i32
      %add3A_95 = arith.addi %add3A_93, %add3A_94 : i32
      %lt3A_96 = arith.constant 16 : i32
      %lt3A_97 = arith.cmpi slt, %add3A_95, %lt3A_96 : i32
      %convert_element_type3A_98 = arith.extui %lt3A_97 : i1 to i32
      %cond3A_99 = arith.constant 0 : i32
      %cond3A_100 = arith.cmpi ne, %convert_element_type3A_98, %cond3A_99 : i32
      scf.if %cond3A_100 {
        %ge3A = arith.constant 2 : i32
        %ge3A_237 = arith.cmpi sge, %add3A_93, %ge3A : i32
        %convert_element_type3A_238 = arith.extui %ge3A_237 : i1 to i32
        %cond3A_239 = arith.constant 0 : i32
        %cond3A_240 = arith.cmpi ne, %convert_element_type3A_238, %cond3A_239 : i32
        scf.if %cond3A_240 {
          %sub3A = arith.constant 2 : i32
          %sub3A_250 = arith.subi %add3A_93, %sub3A : i32
          %mul3A_251 = arith.constant 8 : i32
          %mul3A_252 = arith.muli %sub3A_250, %mul3A_251 : i32
          %add3A_253 = arith.addi %add3A_4, %mul3A_252 : i32
          %dma_wait3A_254 = arith.constant 0 : i32
          %dma_wait3A_255 = tpu.memref_slice %arg3[%add3A_253, %dma_wait3A_254] : memref<16384x2048xf32, #tpu.memory_space<hbm>> -> memref<8x2048xf32, #tpu.memory_space<hbm>>
          %dma_wait3A_256 = arith.constant 0 : i32
          %dma_wait3A_257 = tpu.memref_slice %arg3[%add3A_253, %dma_wait3A_256] : memref<16384x2048xf32, #tpu.memory_space<hbm>> -> memref<8x2048xf32, #tpu.memory_space<hbm>>
          tpu.wait_dma2 semaphore(%arg15 : memref<!tpu.dma_semaphore, #tpu.memory_space<semaphore_mem>>) src(%arg7 : memref<8x2048xf32, #tpu.memory_space<vmem>>) dst(%dma_wait3A_257 : memref<8x2048xf32, #tpu.memory_space<hbm>>)
        } else {
        }
        %add3A_241 = arith.constant 2 : i32
        %add3A_242 = arith.addi %add3A_93, %add3A_241 : i32
        %mul3A_243 = arith.constant 8 : i32
        %mul3A_244 = arith.muli %add3A_242, %mul3A_243 : i32
        %add3A_245 = arith.addi %add3A_4, %mul3A_244 : i32
        %dma_start3A_246 = arith.constant 0 : i32
        %dma_start3A_247 = tpu.memref_slice %arg2[%add3A_245, %dma_start3A_246] : memref<16384x2048xf32, #tpu.memory_space<hbm>> -> memref<8x2048xf32, #tpu.memory_space<hbm>>
        %dma_start3A_248 = arith.constant 0 : i32
        %dma_start3A_249 = tpu.memref_slice %arg2[%add3A_245, %dma_start3A_248] : memref<16384x2048xf32, #tpu.memory_space<hbm>> -> memref<8x2048xf32, #tpu.memory_space<hbm>>
        tpu.enqueue_dma source(%dma_start3A_249 : memref<8x2048xf32, #tpu.memory_space<hbm>>) target(%arg7 : memref<8x2048xf32, #tpu.memory_space<vmem>>) target_semaphore(%arg11 : memref<!tpu.dma_semaphore, #tpu.memory_space<semaphore_mem>>)
      } else {
      }
      %mul3A_101 = arith.constant 8 : i32
      %mul3A_102 = arith.muli %add3A_93, %mul3A_101 : i32
      %add3A_103 = arith.addi %add3A_4, %mul3A_102 : i32
      %dma_wait3A_104 = arith.constant 0 : i32
      %dma_wait3A_105 = tpu.memref_slice %arg2[%add3A_103, %dma_wait3A_104] : memref<16384x2048xf32, #tpu.memory_space<hbm>> -> memref<8x2048xf32, #tpu.memory_space<hbm>>
      %dma_wait3A_106 = arith.constant 0 : i32
      %dma_wait3A_107 = tpu.memref_slice %arg2[%add3A_103, %dma_wait3A_106] : memref<16384x2048xf32, #tpu.memory_space<hbm>> -> memref<8x2048xf32, #tpu.memory_space<hbm>>
      tpu.wait_dma2 semaphore(%arg9 : memref<!tpu.dma_semaphore, #tpu.memory_space<semaphore_mem>>) src(%dma_wait3A_107 : memref<8x2048xf32, #tpu.memory_space<hbm>>) dst(%arg5 : memref<8x2048xf32, #tpu.memory_space<vmem>>)
      %parallel_loop3A_108 = arith.constant 0 : i32
      %parallel_loop3A_109 = arith.constant 128 : i32
      %parallel_loop3A_110 = arith.constant 1 : i32
      scf.for %parallel_loop3A_237 = %parallel_loop3A_108 to %parallel_loop3A_109 step %parallel_loop3A_110  : i32 {
        %parallel_loop3A_238 = arith.constant 16 : i32
        %parallel_loop3A_239 = arith.muli %parallel_loop3A_237, %parallel_loop3A_238 : i32
        %parallel_loop3A_240 = arith.constant 0 : i32
        %parallel_loop3A_241 = arith.index_cast %parallel_loop3A_240 : i32 to index
        %parallel_loop3A_242 = arith.index_cast %parallel_loop3A_239 : i32 to index
        %parallel_loop3A_243 = tpu.vector_load %arg5[%parallel_loop3A_241, %parallel_loop3A_242] {strides = array<i32>} : memref<8x2048xf32, #tpu.memory_space<vmem>>, vector<1x16xf32>,
        %parallel_loop3A_244 = vector.shape_cast %parallel_loop3A_243 : vector<1x16xf32> to vector<16xf32>
        %parallel_loop3A_245 = arith.constant 0.000000e+00 : f32
        %parallel_loop3A_246 = vector.broadcast %parallel_loop3A_245 : f32 to vector<16xf32>
        %parallel_loop3A_247 = arith.maximumf %parallel_loop3A_244, %parallel_loop3A_246 : vector<16xf32>
        %parallel_loop3A_248 = arith.constant 0 : i32
        %parallel_loop3A_249 = arith.index_cast %parallel_loop3A_248 : i32 to index
        %parallel_loop3A_250 = arith.index_cast %parallel_loop3A_239 : i32 to index
        %parallel_loop3A_251 = tpu.vector_load %arg5[%parallel_loop3A_249, %parallel_loop3A_250] {strides = array<i32>} : memref<8x2048xf32, #tpu.memory_space<vmem>>, vector<1x16xf32>,
        %parallel_loop3A_252 = vector.shape_cast %parallel_loop3A_251 : vector<1x16xf32> to vector<16xf32>
        %parallel_loop3A_253 = vector.shape_cast %parallel_loop3A_247 : vector<16xf32> to vector<1x16xf32>
        tpu.vector_store %arg5[%parallel_loop3A_249, %parallel_loop3A_250], %parallel_loop3A_253 {strides = array<i32>} : memref<8x2048xf32, #tpu.memory_space<vmem>>, vector<1x16xf32>,
      } {sc.loop_unroll_factor = 8 : i64, sc.parallel_access}
      %parallel_loop3A_111 = arith.constant 0 : i32
      %parallel_loop3A_112 = arith.constant 128 : i32
      %parallel_loop3A_113 = arith.constant 1 : i32
      scf.for %parallel_loop3A_237 = %parallel_loop3A_111 to %parallel_loop3A_112 step %parallel_loop3A_113  : i32 {
        %parallel_loop3A_238 = arith.constant 16 : i32
        %parallel_loop3A_239 = arith.muli %parallel_loop3A_237, %parallel_loop3A_238 : i32
        %parallel_loop3A_240 = arith.constant 1 : i32
        %parallel_loop3A_241 = arith.index_cast %parallel_loop3A_240 : i32 to index
        %parallel_loop3A_242 = arith.index_cast %parallel_loop3A_239 : i32 to index
        %parallel_loop3A_243 = tpu.vector_load %arg5[%parallel_loop3A_241, %parallel_loop3A_242] {strides = array<i32>} : memref<8x2048xf32, #tpu.memory_space<vmem>>, vector<1x16xf32>,
        %parallel_loop3A_244 = vector.shape_cast %parallel_loop3A_243 : vector<1x16xf32> to vector<16xf32>
        %parallel_loop3A_245 = arith.constant 0.000000e+00 : f32
        %parallel_loop3A_246 = vector.broadcast %parallel_loop3A_245 : f32 to vector<16xf32>
        %parallel_loop3A_247 = arith.maximumf %parallel_loop3A_244, %parallel_loop3A_246 : vector<16xf32>
        %parallel_loop3A_248 = arith.constant 1 : i32
        %parallel_loop3A_249 = arith.index_cast %parallel_loop3A_248 : i32 to index
        %parallel_loop3A_250 = arith.index_cast %parallel_loop3A_239 : i32 to index
        %parallel_loop3A_251 = tpu.vector_load %arg5[%parallel_loop3A_249, %parallel_loop3A_250] {strides = array<i32>} : memref<8x2048xf32, #tpu.memory_space<vmem>>, vector<1x16xf32>,
        %parallel_loop3A_252 = vector.shape_cast %parallel_loop3A_251 : vector<1x16xf32> to vector<16xf32>
        %parallel_loop3A_253 = vector.shape_cast %parallel_loop3A_247 : vector<16xf32> to vector<1x16xf32>
        tpu.vector_store %arg5[%parallel_loop3A_249, %parallel_loop3A_250], %parallel_loop3A_253 {strides = array<i32>} : memref<8x2048xf32, #tpu.memory_space<vmem>>, vector<1x16xf32>,
      } {sc.loop_unroll_factor = 8 : i64, sc.parallel_access}
      %parallel_loop3A_114 = arith.constant 0 : i32
      %parallel_loop3A_115 = arith.constant 128 : i32
      %parallel_loop3A_116 = arith.constant 1 : i32
      scf.for %parallel_loop3A_237 = %parallel_loop3A_114 to %parallel_loop3A_115 step %parallel_loop3A_116  : i32 {
        %parallel_loop3A_238 = arith.constant 16 : i32
        %parallel_loop3A_239 = arith.muli %parallel_loop3A_237, %parallel_loop3A_238 : i32
        %parallel_loop3A_240 = arith.constant 2 : i32
        %parallel_loop3A_241 = arith.index_cast %parallel_loop3A_240 : i32 to index
        %parallel_loop3A_242 = arith.index_cast %parallel_loop3A_239 : i32 to index
        %parallel_loop3A_243 = tpu.vector_load %arg5[%parallel_loop3A_241, %parallel_loop3A_242] {strides = array<i32>} : memref<8x2048xf32, #tpu.memory_space<vmem>>, vector<1x16xf32>,
        %parallel_loop3A_244 = vector.shape_cast %parallel_loop3A_243 : vector<1x16xf32> to vector<16xf32>
        %parallel_loop3A_245 = arith.constant 0.000000e+00 : f32
        %parallel_loop3A_246 = vector.broadcast %parallel_loop3A_245 : f32 to vector<16xf32>
        %parallel_loop3A_247 = arith.maximumf %parallel_loop3A_244, %parallel_loop3A_246 : vector<16xf32>
        %parallel_loop3A_248 = arith.constant 2 : i32
        %parallel_loop3A_249 = arith.index_cast %parallel_loop3A_248 : i32 to index
        %parallel_loop3A_250 = arith.index_cast %parallel_loop3A_239 : i32 to index
        %parallel_loop3A_251 = tpu.vector_load %arg5[%parallel_loop3A_249, %parallel_loop3A_250] {strides = array<i32>} : memref<8x2048xf32, #tpu.memory_space<vmem>>, vector<1x16xf32>,
        %parallel_loop3A_252 = vector.shape_cast %parallel_loop3A_251 : vector<1x16xf32> to vector<16xf32>
        %parallel_loop3A_253 = vector.shape_cast %parallel_loop3A_247 : vector<16xf32> to vector<1x16xf32>
        tpu.vector_store %arg5[%parallel_loop3A_249, %parallel_loop3A_250], %parallel_loop3A_253 {strides = array<i32>} : memref<8x2048xf32, #tpu.memory_space<vmem>>, vector<1x16xf32>,
      } {sc.loop_unroll_factor = 8 : i64, sc.parallel_access}
      %parallel_loop3A_117 = arith.constant 0 : i32
      %parallel_loop3A_118 = arith.constant 128 : i32
      %parallel_loop3A_119 = arith.constant 1 : i32
      scf.for %parallel_loop3A_237 = %parallel_loop3A_117 to %parallel_loop3A_118 step %parallel_loop3A_119  : i32 {
        %parallel_loop3A_238 = arith.constant 16 : i32
        %parallel_loop3A_239 = arith.muli %parallel_loop3A_237, %parallel_loop3A_238 : i32
        %parallel_loop3A_240 = arith.constant 3 : i32
        %parallel_loop3A_241 = arith.index_cast %parallel_loop3A_240 : i32 to index
        %parallel_loop3A_242 = arith.index_cast %parallel_loop3A_239 : i32 to index
        %parallel_loop3A_243 = tpu.vector_load %arg5[%parallel_loop3A_241, %parallel_loop3A_242] {strides = array<i32>} : memref<8x2048xf32, #tpu.memory_space<vmem>>, vector<1x16xf32>,
        %parallel_loop3A_244 = vector.shape_cast %parallel_loop3A_243 : vector<1x16xf32> to vector<16xf32>
        %parallel_loop3A_245 = arith.constant 0.000000e+00 : f32
        %parallel_loop3A_246 = vector.broadcast %parallel_loop3A_245 : f32 to vector<16xf32>
        %parallel_loop3A_247 = arith.maximumf %parallel_loop3A_244, %parallel_loop3A_246 : vector<16xf32>
        %parallel_loop3A_248 = arith.constant 3 : i32
        %parallel_loop3A_249 = arith.index_cast %parallel_loop3A_248 : i32 to index
        %parallel_loop3A_250 = arith.index_cast %parallel_loop3A_239 : i32 to index
        %parallel_loop3A_251 = tpu.vector_load %arg5[%parallel_loop3A_249, %parallel_loop3A_250] {strides = array<i32>} : memref<8x2048xf32, #tpu.memory_space<vmem>>, vector<1x16xf32>,
        %parallel_loop3A_252 = vector.shape_cast %parallel_loop3A_251 : vector<1x16xf32> to vector<16xf32>
        %parallel_loop3A_253 = vector.shape_cast %parallel_loop3A_247 : vector<16xf32> to vector<1x16xf32>
        tpu.vector_store %arg5[%parallel_loop3A_249, %parallel_loop3A_250], %parallel_loop3A_253 {strides = array<i32>} : memref<8x2048xf32, #tpu.memory_space<vmem>>, vector<1x16xf32>,
      } {sc.loop_unroll_factor = 8 : i64, sc.parallel_access}
      %parallel_loop3A_120 = arith.constant 0 : i32
      %parallel_loop3A_121 = arith.constant 128 : i32
      %parallel_loop3A_122 = arith.constant 1 : i32
      scf.for %parallel_loop3A_237 = %parallel_loop3A_120 to %parallel_loop3A_121 step %parallel_loop3A_122  : i32 {
        %parallel_loop3A_238 = arith.constant 16 : i32
        %parallel_loop3A_239 = arith.muli %parallel_loop3A_237, %parallel_loop3A_238 : i32
        %parallel_loop3A_240 = arith.constant 4 : i32
        %parallel_loop3A_241 = arith.index_cast %parallel_loop3A_240 : i32 to index
        %parallel_loop3A_242 = arith.index_cast %parallel_loop3A_239 : i32 to index
        %parallel_loop3A_243 = tpu.vector_load %arg5[%parallel_loop3A_241, %parallel_loop3A_242] {strides = array<i32>} : memref<8x2048xf32, #tpu.memory_space<vmem>>, vector<1x16xf32>,
        %parallel_loop3A_244 = vector.shape_cast %parallel_loop3A_243 : vector<1x16xf32> to vector<16xf32>
        %parallel_loop3A_245 = arith.constant 0.000000e+00 : f32
        %parallel_loop3A_246 = vector.broadcast %parallel_loop3A_245 : f32 to vector<16xf32>
        %parallel_loop3A_247 = arith.maximumf %parallel_loop3A_244, %parallel_loop3A_246 : vector<16xf32>
        %parallel_loop3A_248 = arith.constant 4 : i32
        %parallel_loop3A_249 = arith.index_cast %parallel_loop3A_248 : i32 to index
        %parallel_loop3A_250 = arith.index_cast %parallel_loop3A_239 : i32 to index
        %parallel_loop3A_251 = tpu.vector_load %arg5[%parallel_loop3A_249, %parallel_loop3A_250] {strides = array<i32>} : memref<8x2048xf32, #tpu.memory_space<vmem>>, vector<1x16xf32>,
        %parallel_loop3A_252 = vector.shape_cast %parallel_loop3A_251 : vector<1x16xf32> to vector<16xf32>
        %parallel_loop3A_253 = vector.shape_cast %parallel_loop3A_247 : vector<16xf32> to vector<1x16xf32>
        tpu.vector_store %arg5[%parallel_loop3A_249, %parallel_loop3A_250], %parallel_loop3A_253 {strides = array<i32>} : memref<8x2048xf32, #tpu.memory_space<vmem>>, vector<1x16xf32>,
      } {sc.loop_unroll_factor = 8 : i64, sc.parallel_access}
      %parallel_loop3A_123 = arith.constant 0 : i32
      %parallel_loop3A_124 = arith.constant 128 : i32
      %parallel_loop3A_125 = arith.constant 1 : i32
      scf.for %parallel_loop3A_237 = %parallel_loop3A_123 to %parallel_loop3A_124 step %parallel_loop3A_125  : i32 {
        %parallel_loop3A_238 = arith.constant 16 : i32
        %parallel_loop3A_239 = arith.muli %parallel_loop3A_237, %parallel_loop3A_238 : i32
        %parallel_loop3A_240 = arith.constant 5 : i32
        %parallel_loop3A_241 = arith.index_cast %parallel_loop3A_240 : i32 to index
        %parallel_loop3A_242 = arith.index_cast %parallel_loop3A_239 : i32 to index
        %parallel_loop3A_243 = tpu.vector_load %arg5[%parallel_loop3A_241, %parallel_loop3A_242] {strides = array<i32>} : memref<8x2048xf32, #tpu.memory_space<vmem>>, vector<1x16xf32>,
        %parallel_loop3A_244 = vector.shape_cast %parallel_loop3A_243 : vector<1x16xf32> to vector<16xf32>
        %parallel_loop3A_245 = arith.constant 0.000000e+00 : f32
        %parallel_loop3A_246 = vector.broadcast %parallel_loop3A_245 : f32 to vector<16xf32>
        %parallel_loop3A_247 = arith.maximumf %parallel_loop3A_244, %parallel_loop3A_246 : vector<16xf32>
        %parallel_loop3A_248 = arith.constant 5 : i32
        %parallel_loop3A_249 = arith.index_cast %parallel_loop3A_248 : i32 to index
        %parallel_loop3A_250 = arith.index_cast %parallel_loop3A_239 : i32 to index
        %parallel_loop3A_251 = tpu.vector_load %arg5[%parallel_loop3A_249, %parallel_loop3A_250] {strides = array<i32>} : memref<8x2048xf32, #tpu.memory_space<vmem>>, vector<1x16xf32>,
        %parallel_loop3A_252 = vector.shape_cast %parallel_loop3A_251 : vector<1x16xf32> to vector<16xf32>
        %parallel_loop3A_253 = vector.shape_cast %parallel_loop3A_247 : vector<16xf32> to vector<1x16xf32>
        tpu.vector_store %arg5[%parallel_loop3A_249, %parallel_loop3A_250], %parallel_loop3A_253 {strides = array<i32>} : memref<8x2048xf32, #tpu.memory_space<vmem>>, vector<1x16xf32>,
      } {sc.loop_unroll_factor = 8 : i64, sc.parallel_access}
      %parallel_loop3A_126 = arith.constant 0 : i32
      %parallel_loop3A_127 = arith.constant 128 : i32
      %parallel_loop3A_128 = arith.constant 1 : i32
      scf.for %parallel_loop3A_237 = %parallel_loop3A_126 to %parallel_loop3A_127 step %parallel_loop3A_128  : i32 {
        %parallel_loop3A_238 = arith.constant 16 : i32
        %parallel_loop3A_239 = arith.muli %parallel_loop3A_237, %parallel_loop3A_238 : i32
        %parallel_loop3A_240 = arith.constant 6 : i32
        %parallel_loop3A_241 = arith.index_cast %parallel_loop3A_240 : i32 to index
        %parallel_loop3A_242 = arith.index_cast %parallel_loop3A_239 : i32 to index
        %parallel_loop3A_243 = tpu.vector_load %arg5[%parallel_loop3A_241, %parallel_loop3A_242] {strides = array<i32>} : memref<8x2048xf32, #tpu.memory_space<vmem>>, vector<1x16xf32>,
        %parallel_loop3A_244 = vector.shape_cast %parallel_loop3A_243 : vector<1x16xf32> to vector<16xf32>
        %parallel_loop3A_245 = arith.constant 0.000000e+00 : f32
        %parallel_loop3A_246 = vector.broadcast %parallel_loop3A_245 : f32 to vector<16xf32>
        %parallel_loop3A_247 = arith.maximumf %parallel_loop3A_244, %parallel_loop3A_246 : vector<16xf32>
        %parallel_loop3A_248 = arith.constant 6 : i32
        %parallel_loop3A_249 = arith.index_cast %parallel_loop3A_248 : i32 to index
        %parallel_loop3A_250 = arith.index_cast %parallel_loop3A_239 : i32 to index
        %parallel_loop3A_251 = tpu.vector_load %arg5[%parallel_loop3A_249, %parallel_loop3A_250] {strides = array<i32>} : memref<8x2048xf32, #tpu.memory_space<vmem>>, vector<1x16xf32>,
        %parallel_loop3A_252 = vector.shape_cast %parallel_loop3A_251 : vector<1x16xf32> to vector<16xf32>
        %parallel_loop3A_253 = vector.shape_cast %parallel_loop3A_247 : vector<16xf32> to vector<1x16xf32>
        tpu.vector_store %arg5[%parallel_loop3A_249, %parallel_loop3A_250], %parallel_loop3A_253 {strides = array<i32>} : memref<8x2048xf32, #tpu.memory_space<vmem>>, vector<1x16xf32>,
      } {sc.loop_unroll_factor = 8 : i64, sc.parallel_access}
      %parallel_loop3A_129 = arith.constant 0 : i32
      %parallel_loop3A_130 = arith.constant 128 : i32
      %parallel_loop3A_131 = arith.constant 1 : i32
      scf.for %parallel_loop3A_237 = %parallel_loop3A_129 to %parallel_loop3A_130 step %parallel_loop3A_131  : i32 {
        %parallel_loop3A_238 = arith.constant 16 : i32
        %parallel_loop3A_239 = arith.muli %parallel_loop3A_237, %parallel_loop3A_238 : i32
        %parallel_loop3A_240 = arith.constant 7 : i32
        %parallel_loop3A_241 = arith.index_cast %parallel_loop3A_240 : i32 to index
        %parallel_loop3A_242 = arith.index_cast %parallel_loop3A_239 : i32 to index
        %parallel_loop3A_243 = tpu.vector_load %arg5[%parallel_loop3A_241, %parallel_loop3A_242] {strides = array<i32>} : memref<8x2048xf32, #tpu.memory_space<vmem>>, vector<1x16xf32>,
        %parallel_loop3A_244 = vector.shape_cast %parallel_loop3A_243 : vector<1x16xf32> to vector<16xf32>
        %parallel_loop3A_245 = arith.constant 0.000000e+00 : f32
        %parallel_loop3A_246 = vector.broadcast %parallel_loop3A_245 : f32 to vector<16xf32>
        %parallel_loop3A_247 = arith.maximumf %parallel_loop3A_244, %parallel_loop3A_246 : vector<16xf32>
        %parallel_loop3A_248 = arith.constant 7 : i32
        %parallel_loop3A_249 = arith.index_cast %parallel_loop3A_248 : i32 to index
        %parallel_loop3A_250 = arith.index_cast %parallel_loop3A_239 : i32 to index
        %parallel_loop3A_251 = tpu.vector_load %arg5[%parallel_loop3A_249, %parallel_loop3A_250] {strides = array<i32>} : memref<8x2048xf32, #tpu.memory_space<vmem>>, vector<1x16xf32>,
        %parallel_loop3A_252 = vector.shape_cast %parallel_loop3A_251 : vector<1x16xf32> to vector<16xf32>
        %parallel_loop3A_253 = vector.shape_cast %parallel_loop3A_247 : vector<16xf32> to vector<1x16xf32>
        tpu.vector_store %arg5[%parallel_loop3A_249, %parallel_loop3A_250], %parallel_loop3A_253 {strides = array<i32>} : memref<8x2048xf32, #tpu.memory_space<vmem>>, vector<1x16xf32>,
      } {sc.loop_unroll_factor = 8 : i64, sc.parallel_access}
      %mul3A_132 = arith.constant 8 : i32
      %mul3A_133 = arith.muli %add3A_93, %mul3A_132 : i32
      %add3A_134 = arith.addi %add3A_4, %mul3A_133 : i32
      %dma_start3A_135 = arith.constant 0 : i32
      %dma_start3A_136 = tpu.memref_slice %arg3[%add3A_134, %dma_start3A_135] : memref<16384x2048xf32, #tpu.memory_space<hbm>> -> memref<8x2048xf32, #tpu.memory_space<hbm>>
      %dma_start3A_137 = arith.constant 0 : i32
      %dma_start3A_138 = tpu.memref_slice %arg3[%add3A_134, %dma_start3A_137] : memref<16384x2048xf32, #tpu.memory_space<hbm>> -> memref<8x2048xf32, #tpu.memory_space<hbm>>
      tpu.enqueue_dma source(%arg5 : memref<8x2048xf32, #tpu.memory_space<vmem>>) target(%dma_start3A_138 : memref<8x2048xf32, #tpu.memory_space<hbm>>) target_semaphore(%arg13 : memref<!tpu.dma_semaphore, #tpu.memory_space<semaphore_mem>>)
      %mul3A_139 = arith.constant 4 : i32
      %mul3A_140 = arith.muli %scan3A_44, %mul3A_139 : i32
      %add3A_141 = arith.constant 2 : i32
      %add3A_142 = arith.addi %mul3A_140, %add3A_141 : i32
      %add3A_143 = arith.constant 2 : i32
      %add3A_144 = arith.addi %add3A_142, %add3A_143 : i32
      %lt3A_145 = arith.constant 16 : i32
      %lt3A_146 = arith.cmpi slt, %add3A_144, %lt3A_145 : i32
      %convert_element_type3A_147 = arith.extui %lt3A_146 : i1 to i32
      %cond3A_148 = arith.constant 0 : i32
      %cond3A_149 = arith.cmpi ne, %convert_element_type3A_147, %cond3A_148 : i32
      scf.if %cond3A_149 {
        %ge3A = arith.constant 2 : i32
        %ge3A_237 = arith.cmpi sge, %add3A_142, %ge3A : i32
        %convert_element_type3A_238 = arith.extui %ge3A_237 : i1 to i32
        %cond3A_239 = arith.constant 0 : i32
        %cond3A_240 = arith.cmpi ne, %convert_element_type3A_238, %cond3A_239 : i32
        scf.if %cond3A_240 {
          %sub3A = arith.constant 2 : i32
          %sub3A_250 = arith.subi %add3A_142, %sub3A : i32
          %mul3A_251 = arith.constant 8 : i32
          %mul3A_252 = arith.muli %sub3A_250, %mul3A_251 : i32
          %add3A_253 = arith.addi %add3A_4, %mul3A_252 : i32
          %dma_wait3A_254 = arith.constant 0 : i32
          %dma_wait3A_255 = tpu.memref_slice %arg3[%add3A_253, %dma_wait3A_254] : memref<16384x2048xf32, #tpu.memory_space<hbm>> -> memref<8x2048xf32, #tpu.memory_space<hbm>>
          %dma_wait3A_256 = arith.constant 0 : i32
          %dma_wait3A_257 = tpu.memref_slice %arg3[%add3A_253, %dma_wait3A_256] : memref<16384x2048xf32, #tpu.memory_space<hbm>> -> memref<8x2048xf32, #tpu.memory_space<hbm>>
          tpu.wait_dma2 semaphore(%arg12 : memref<!tpu.dma_semaphore, #tpu.memory_space<semaphore_mem>>) src(%arg4 : memref<8x2048xf32, #tpu.memory_space<vmem>>) dst(%dma_wait3A_257 : memref<8x2048xf32, #tpu.memory_space<hbm>>)
        } else {
        }
        %add3A_241 = arith.constant 2 : i32
        %add3A_242 = arith.addi %add3A_142, %add3A_241 : i32
        %mul3A_243 = arith.constant 8 : i32
        %mul3A_244 = arith.muli %add3A_242, %mul3A_243 : i32
        %add3A_245 = arith.addi %add3A_4, %mul3A_244 : i32
        %dma_start3A_246 = arith.constant 0 : i32
        %dma_start3A_247 = tpu.memref_slice %arg2[%add3A_245, %dma_start3A_246] : memref<16384x2048xf32, #tpu.memory_space<hbm>> -> memref<8x2048xf32, #tpu.memory_space<hbm>>
        %dma_start3A_248 = arith.constant 0 : i32
        %dma_start3A_249 = tpu.memref_slice %arg2[%add3A_245, %dma_start3A_248] : memref<16384x2048xf32, #tpu.memory_space<hbm>> -> memref<8x2048xf32, #tpu.memory_space<hbm>>
        tpu.enqueue_dma source(%dma_start3A_249 : memref<8x2048xf32, #tpu.memory_space<hbm>>) target(%arg4 : memref<8x2048xf32, #tpu.memory_space<vmem>>) target_semaphore(%arg8 : memref<!tpu.dma_semaphore, #tpu.memory_space<semaphore_mem>>)
      } else {
      }
      %mul3A_150 = arith.constant 8 : i32
      %mul3A_151 = arith.muli %add3A_142, %mul3A_150 : i32
      %add3A_152 = arith.addi %add3A_4, %mul3A_151 : i32
      %dma_wait3A_153 = arith.constant 0 : i32
      %dma_wait3A_154 = tpu.memref_slice %arg2[%add3A_152, %dma_wait3A_153] : memref<16384x2048xf32, #tpu.memory_space<hbm>> -> memref<8x2048xf32, #tpu.memory_space<hbm>>
      %dma_wait3A_155 = arith.constant 0 : i32
      %dma_wait3A_156 = tpu.memref_slice %arg2[%add3A_152, %dma_wait3A_155] : memref<16384x2048xf32, #tpu.memory_space<hbm>> -> memref<8x2048xf32, #tpu.memory_space<hbm>>
      tpu.wait_dma2 semaphore(%arg10 : memref<!tpu.dma_semaphore, #tpu.memory_space<semaphore_mem>>) src(%dma_wait3A_156 : memref<8x2048xf32, #tpu.memory_space<hbm>>) dst(%arg6 : memref<8x2048xf32, #tpu.memory_space<vmem>>)
      %parallel_loop3A_157 = arith.constant 0 : i32
      %parallel_loop3A_158 = arith.constant 128 : i32
      %parallel_loop3A_159 = arith.constant 1 : i32
      scf.for %parallel_loop3A_237 = %parallel_loop3A_157 to %parallel_loop3A_158 step %parallel_loop3A_159  : i32 {
        %parallel_loop3A_238 = arith.constant 16 : i32
        %parallel_loop3A_239 = arith.muli %parallel_loop3A_237, %parallel_loop3A_238 : i32
        %parallel_loop3A_240 = arith.constant 0 : i32
        %parallel_loop3A_241 = arith.index_cast %parallel_loop3A_240 : i32 to index
        %parallel_loop3A_242 = arith.index_cast %parallel_loop3A_239 : i32 to index
        %parallel_loop3A_243 = tpu.vector_load %arg6[%parallel_loop3A_241, %parallel_loop3A_242] {strides = array<i32>} : memref<8x2048xf32, #tpu.memory_space<vmem>>, vector<1x16xf32>,
        %parallel_loop3A_244 = vector.shape_cast %parallel_loop3A_243 : vector<1x16xf32> to vector<16xf32>
        %parallel_loop3A_245 = arith.constant 0.000000e+00 : f32
        %parallel_loop3A_246 = vector.broadcast %parallel_loop3A_245 : f32 to vector<16xf32>
        %parallel_loop3A_247 = arith.maximumf %parallel_loop3A_244, %parallel_loop3A_246 : vector<16xf32>
        %parallel_loop3A_248 = arith.constant 0 : i32
        %parallel_loop3A_249 = arith.index_cast %parallel_loop3A_248 : i32 to index
        %parallel_loop3A_250 = arith.index_cast %parallel_loop3A_239 : i32 to index
        %parallel_loop3A_251 = tpu.vector_load %arg6[%parallel_loop3A_249, %parallel_loop3A_250] {strides = array<i32>} : memref<8x2048xf32, #tpu.memory_space<vmem>>, vector<1x16xf32>,
        %parallel_loop3A_252 = vector.shape_cast %parallel_loop3A_251 : vector<1x16xf32> to vector<16xf32>
        %parallel_loop3A_253 = vector.shape_cast %parallel_loop3A_247 : vector<16xf32> to vector<1x16xf32>
        tpu.vector_store %arg6[%parallel_loop3A_249, %parallel_loop3A_250], %parallel_loop3A_253 {strides = array<i32>} : memref<8x2048xf32, #tpu.memory_space<vmem>>, vector<1x16xf32>,
      } {sc.loop_unroll_factor = 8 : i64, sc.parallel_access}
      %parallel_loop3A_160 = arith.constant 0 : i32
      %parallel_loop3A_161 = arith.constant 128 : i32
      %parallel_loop3A_162 = arith.constant 1 : i32
      scf.for %parallel_loop3A_237 = %parallel_loop3A_160 to %parallel_loop3A_161 step %parallel_loop3A_162  : i32 {
        %parallel_loop3A_238 = arith.constant 16 : i32
        %parallel_loop3A_239 = arith.muli %parallel_loop3A_237, %parallel_loop3A_238 : i32
        %parallel_loop3A_240 = arith.constant 1 : i32
        %parallel_loop3A_241 = arith.index_cast %parallel_loop3A_240 : i32 to index
        %parallel_loop3A_242 = arith.index_cast %parallel_loop3A_239 : i32 to index
        %parallel_loop3A_243 = tpu.vector_load %arg6[%parallel_loop3A_241, %parallel_loop3A_242] {strides = array<i32>} : memref<8x2048xf32, #tpu.memory_space<vmem>>, vector<1x16xf32>,
        %parallel_loop3A_244 = vector.shape_cast %parallel_loop3A_243 : vector<1x16xf32> to vector<16xf32>
        %parallel_loop3A_245 = arith.constant 0.000000e+00 : f32
        %parallel_loop3A_246 = vector.broadcast %parallel_loop3A_245 : f32 to vector<16xf32>
        %parallel_loop3A_247 = arith.maximumf %parallel_loop3A_244, %parallel_loop3A_246 : vector<16xf32>
        %parallel_loop3A_248 = arith.constant 1 : i32
        %parallel_loop3A_249 = arith.index_cast %parallel_loop3A_248 : i32 to index
        %parallel_loop3A_250 = arith.index_cast %parallel_loop3A_239 : i32 to index
        %parallel_loop3A_251 = tpu.vector_load %arg6[%parallel_loop3A_249, %parallel_loop3A_250] {strides = array<i32>} : memref<8x2048xf32, #tpu.memory_space<vmem>>, vector<1x16xf32>,
        %parallel_loop3A_252 = vector.shape_cast %parallel_loop3A_251 : vector<1x16xf32> to vector<16xf32>
        %parallel_loop3A_253 = vector.shape_cast %parallel_loop3A_247 : vector<16xf32> to vector<1x16xf32>
        tpu.vector_store %arg6[%parallel_loop3A_249, %parallel_loop3A_250], %parallel_loop3A_253 {strides = array<i32>} : memref<8x2048xf32, #tpu.memory_space<vmem>>, vector<1x16xf32>,
      } {sc.loop_unroll_factor = 8 : i64, sc.parallel_access}
      %parallel_loop3A_163 = arith.constant 0 : i32
      %parallel_loop3A_164 = arith.constant 128 : i32
      %parallel_loop3A_165 = arith.constant 1 : i32
      scf.for %parallel_loop3A_237 = %parallel_loop3A_163 to %parallel_loop3A_164 step %parallel_loop3A_165  : i32 {
        %parallel_loop3A_238 = arith.constant 16 : i32
        %parallel_loop3A_239 = arith.muli %parallel_loop3A_237, %parallel_loop3A_238 : i32
        %parallel_loop3A_240 = arith.constant 2 : i32
        %parallel_loop3A_241 = arith.index_cast %parallel_loop3A_240 : i32 to index
        %parallel_loop3A_242 = arith.index_cast %parallel_loop3A_239 : i32 to index
        %parallel_loop3A_243 = tpu.vector_load %arg6[%parallel_loop3A_241, %parallel_loop3A_242] {strides = array<i32>} : memref<8x2048xf32, #tpu.memory_space<vmem>>, vector<1x16xf32>,
        %parallel_loop3A_244 = vector.shape_cast %parallel_loop3A_243 : vector<1x16xf32> to vector<16xf32>
        %parallel_loop3A_245 = arith.constant 0.000000e+00 : f32
        %parallel_loop3A_246 = vector.broadcast %parallel_loop3A_245 : f32 to vector<16xf32>
        %parallel_loop3A_247 = arith.maximumf %parallel_loop3A_244, %parallel_loop3A_246 : vector<16xf32>
        %parallel_loop3A_248 = arith.constant 2 : i32
        %parallel_loop3A_249 = arith.index_cast %parallel_loop3A_248 : i32 to index
        %parallel_loop3A_250 = arith.index_cast %parallel_loop3A_239 : i32 to index
        %parallel_loop3A_251 = tpu.vector_load %arg6[%parallel_loop3A_249, %parallel_loop3A_250] {strides = array<i32>} : memref<8x2048xf32, #tpu.memory_space<vmem>>, vector<1x16xf32>,
        %parallel_loop3A_252 = vector.shape_cast %parallel_loop3A_251 : vector<1x16xf32> to vector<16xf32>
        %parallel_loop3A_253 = vector.shape_cast %parallel_loop3A_247 : vector<16xf32> to vector<1x16xf32>
        tpu.vector_store %arg6[%parallel_loop3A_249, %parallel_loop3A_250], %parallel_loop3A_253 {strides = array<i32>} : memref<8x2048xf32, #tpu.memory_space<vmem>>, vector<1x16xf32>,
      } {sc.loop_unroll_factor = 8 : i64, sc.parallel_access}
      %parallel_loop3A_166 = arith.constant 0 : i32
      %parallel_loop3A_167 = arith.constant 128 : i32
      %parallel_loop3A_168 = arith.constant 1 : i32
      scf.for %parallel_loop3A_237 = %parallel_loop3A_166 to %parallel_loop3A_167 step %parallel_loop3A_168  : i32 {
        %parallel_loop3A_238 = arith.constant 16 : i32
        %parallel_loop3A_239 = arith.muli %parallel_loop3A_237, %parallel_loop3A_238 : i32
        %parallel_loop3A_240 = arith.constant 3 : i32
        %parallel_loop3A_241 = arith.index_cast %parallel_loop3A_240 : i32 to index
        %parallel_loop3A_242 = arith.index_cast %parallel_loop3A_239 : i32 to index
        %parallel_loop3A_243 = tpu.vector_load %arg6[%parallel_loop3A_241, %parallel_loop3A_242] {strides = array<i32>} : memref<8x2048xf32, #tpu.memory_space<vmem>>, vector<1x16xf32>,
        %parallel_loop3A_244 = vector.shape_cast %parallel_loop3A_243 : vector<1x16xf32> to vector<16xf32>
        %parallel_loop3A_245 = arith.constant 0.000000e+00 : f32
        %parallel_loop3A_246 = vector.broadcast %parallel_loop3A_245 : f32 to vector<16xf32>
        %parallel_loop3A_247 = arith.maximumf %parallel_loop3A_244, %parallel_loop3A_246 : vector<16xf32>
        %parallel_loop3A_248 = arith.constant 3 : i32
        %parallel_loop3A_249 = arith.index_cast %parallel_loop3A_248 : i32 to index
        %parallel_loop3A_250 = arith.index_cast %parallel_loop3A_239 : i32 to index
        %parallel_loop3A_251 = tpu.vector_load %arg6[%parallel_loop3A_249, %parallel_loop3A_250] {strides = array<i32>} : memref<8x2048xf32, #tpu.memory_space<vmem>>, vector<1x16xf32>,
        %parallel_loop3A_252 = vector.shape_cast %parallel_loop3A_251 : vector<1x16xf32> to vector<16xf32>
        %parallel_loop3A_253 = vector.shape_cast %parallel_loop3A_247 : vector<16xf32> to vector<1x16xf32>
        tpu.vector_store %arg6[%parallel_loop3A_249, %parallel_loop3A_250], %parallel_loop3A_253 {strides = array<i32>} : memref<8x2048xf32, #tpu.memory_space<vmem>>, vector<1x16xf32>,
      } {sc.loop_unroll_factor = 8 : i64, sc.parallel_access}
      %parallel_loop3A_169 = arith.constant 0 : i32
      %parallel_loop3A_170 = arith.constant 128 : i32
      %parallel_loop3A_171 = arith.constant 1 : i32
      scf.for %parallel_loop3A_237 = %parallel_loop3A_169 to %parallel_loop3A_170 step %parallel_loop3A_171  : i32 {
        %parallel_loop3A_238 = arith.constant 16 : i32
        %parallel_loop3A_239 = arith.muli %parallel_loop3A_237, %parallel_loop3A_238 : i32
        %parallel_loop3A_240 = arith.constant 4 : i32
        %parallel_loop3A_241 = arith.index_cast %parallel_loop3A_240 : i32 to index
        %parallel_loop3A_242 = arith.index_cast %parallel_loop3A_239 : i32 to index
        %parallel_loop3A_243 = tpu.vector_load %arg6[%parallel_loop3A_241, %parallel_loop3A_242] {strides = array<i32>} : memref<8x2048xf32, #tpu.memory_space<vmem>>, vector<1x16xf32>,
        %parallel_loop3A_244 = vector.shape_cast %parallel_loop3A_243 : vector<1x16xf32> to vector<16xf32>
        %parallel_loop3A_245 = arith.constant 0.000000e+00 : f32
        %parallel_loop3A_246 = vector.broadcast %parallel_loop3A_245 : f32 to vector<16xf32>
        %parallel_loop3A_247 = arith.maximumf %parallel_loop3A_244, %parallel_loop3A_246 : vector<16xf32>
        %parallel_loop3A_248 = arith.constant 4 : i32
        %parallel_loop3A_249 = arith.index_cast %parallel_loop3A_248 : i32 to index
        %parallel_loop3A_250 = arith.index_cast %parallel_loop3A_239 : i32 to index
        %parallel_loop3A_251 = tpu.vector_load %arg6[%parallel_loop3A_249, %parallel_loop3A_250] {strides = array<i32>} : memref<8x2048xf32, #tpu.memory_space<vmem>>, vector<1x16xf32>,
        %parallel_loop3A_252 = vector.shape_cast %parallel_loop3A_251 : vector<1x16xf32> to vector<16xf32>
        %parallel_loop3A_253 = vector.shape_cast %parallel_loop3A_247 : vector<16xf32> to vector<1x16xf32>
        tpu.vector_store %arg6[%parallel_loop3A_249, %parallel_loop3A_250], %parallel_loop3A_253 {strides = array<i32>} : memref<8x2048xf32, #tpu.memory_space<vmem>>, vector<1x16xf32>,
      } {sc.loop_unroll_factor = 8 : i64, sc.parallel_access}
      %parallel_loop3A_172 = arith.constant 0 : i32
      %parallel_loop3A_173 = arith.constant 128 : i32
      %parallel_loop3A_174 = arith.constant 1 : i32
      scf.for %parallel_loop3A_237 = %parallel_loop3A_172 to %parallel_loop3A_173 step %parallel_loop3A_174  : i32 {
        %parallel_loop3A_238 = arith.constant 16 : i32
        %parallel_loop3A_239 = arith.muli %parallel_loop3A_237, %parallel_loop3A_238 : i32
        %parallel_loop3A_240 = arith.constant 5 : i32
        %parallel_loop3A_241 = arith.index_cast %parallel_loop3A_240 : i32 to index
        %parallel_loop3A_242 = arith.index_cast %parallel_loop3A_239 : i32 to index
        %parallel_loop3A_243 = tpu.vector_load %arg6[%parallel_loop3A_241, %parallel_loop3A_242] {strides = array<i32>} : memref<8x2048xf32, #tpu.memory_space<vmem>>, vector<1x16xf32>,
        %parallel_loop3A_244 = vector.shape_cast %parallel_loop3A_243 : vector<1x16xf32> to vector<16xf32>
        %parallel_loop3A_245 = arith.constant 0.000000e+00 : f32
        %parallel_loop3A_246 = vector.broadcast %parallel_loop3A_245 : f32 to vector<16xf32>
        %parallel_loop3A_247 = arith.maximumf %parallel_loop3A_244, %parallel_loop3A_246 : vector<16xf32>
        %parallel_loop3A_248 = arith.constant 5 : i32
        %parallel_loop3A_249 = arith.index_cast %parallel_loop3A_248 : i32 to index
        %parallel_loop3A_250 = arith.index_cast %parallel_loop3A_239 : i32 to index
        %parallel_loop3A_251 = tpu.vector_load %arg6[%parallel_loop3A_249, %parallel_loop3A_250] {strides = array<i32>} : memref<8x2048xf32, #tpu.memory_space<vmem>>, vector<1x16xf32>,
        %parallel_loop3A_252 = vector.shape_cast %parallel_loop3A_251 : vector<1x16xf32> to vector<16xf32>
        %parallel_loop3A_253 = vector.shape_cast %parallel_loop3A_247 : vector<16xf32> to vector<1x16xf32>
        tpu.vector_store %arg6[%parallel_loop3A_249, %parallel_loop3A_250], %parallel_loop3A_253 {strides = array<i32>} : memref<8x2048xf32, #tpu.memory_space<vmem>>, vector<1x16xf32>,
      } {sc.loop_unroll_factor = 8 : i64, sc.parallel_access}
      %parallel_loop3A_175 = arith.constant 0 : i32
      %parallel_loop3A_176 = arith.constant 128 : i32
      %parallel_loop3A_177 = arith.constant 1 : i32
      scf.for %parallel_loop3A_237 = %parallel_loop3A_175 to %parallel_loop3A_176 step %parallel_loop3A_177  : i32 {
        %parallel_loop3A_238 = arith.constant 16 : i32
        %parallel_loop3A_239 = arith.muli %parallel_loop3A_237, %parallel_loop3A_238 : i32
        %parallel_loop3A_240 = arith.constant 6 : i32
        %parallel_loop3A_241 = arith.index_cast %parallel_loop3A_240 : i32 to index
        %parallel_loop3A_242 = arith.index_cast %parallel_loop3A_239 : i32 to index
        %parallel_loop3A_243 = tpu.vector_load %arg6[%parallel_loop3A_241, %parallel_loop3A_242] {strides = array<i32>} : memref<8x2048xf32, #tpu.memory_space<vmem>>, vector<1x16xf32>,
        %parallel_loop3A_244 = vector.shape_cast %parallel_loop3A_243 : vector<1x16xf32> to vector<16xf32>
        %parallel_loop3A_245 = arith.constant 0.000000e+00 : f32
        %parallel_loop3A_246 = vector.broadcast %parallel_loop3A_245 : f32 to vector<16xf32>
        %parallel_loop3A_247 = arith.maximumf %parallel_loop3A_244, %parallel_loop3A_246 : vector<16xf32>
        %parallel_loop3A_248 = arith.constant 6 : i32
        %parallel_loop3A_249 = arith.index_cast %parallel_loop3A_248 : i32 to index
        %parallel_loop3A_250 = arith.index_cast %parallel_loop3A_239 : i32 to index
        %parallel_loop3A_251 = tpu.vector_load %arg6[%parallel_loop3A_249, %parallel_loop3A_250] {strides = array<i32>} : memref<8x2048xf32, #tpu.memory_space<vmem>>, vector<1x16xf32>,
        %parallel_loop3A_252 = vector.shape_cast %parallel_loop3A_251 : vector<1x16xf32> to vector<16xf32>
        %parallel_loop3A_253 = vector.shape_cast %parallel_loop3A_247 : vector<16xf32> to vector<1x16xf32>
        tpu.vector_store %arg6[%parallel_loop3A_249, %parallel_loop3A_250], %parallel_loop3A_253 {strides = array<i32>} : memref<8x2048xf32, #tpu.memory_space<vmem>>, vector<1x16xf32>,
      } {sc.loop_unroll_factor = 8 : i64, sc.parallel_access}
      %parallel_loop3A_178 = arith.constant 0 : i32
      %parallel_loop3A_179 = arith.constant 128 : i32
      %parallel_loop3A_180 = arith.constant 1 : i32
      scf.for %parallel_loop3A_237 = %parallel_loop3A_178 to %parallel_loop3A_179 step %parallel_loop3A_180  : i32 {
        %parallel_loop3A_238 = arith.constant 16 : i32
        %parallel_loop3A_239 = arith.muli %parallel_loop3A_237, %parallel_loop3A_238 : i32
        %parallel_loop3A_240 = arith.constant 7 : i32
        %parallel_loop3A_241 = arith.index_cast %parallel_loop3A_240 : i32 to index
        %parallel_loop3A_242 = arith.index_cast %parallel_loop3A_239 : i32 to index
        %parallel_loop3A_243 = tpu.vector_load %arg6[%parallel_loop3A_241, %parallel_loop3A_242] {strides = array<i32>} : memref<8x2048xf32, #tpu.memory_space<vmem>>, vector<1x16xf32>,
        %parallel_loop3A_244 = vector.shape_cast %parallel_loop3A_243 : vector<1x16xf32> to vector<16xf32>
        %parallel_loop3A_245 = arith.constant 0.000000e+00 : f32
        %parallel_loop3A_246 = vector.broadcast %parallel_loop3A_245 : f32 to vector<16xf32>
        %parallel_loop3A_247 = arith.maximumf %parallel_loop3A_244, %parallel_loop3A_246 : vector<16xf32>
        %parallel_loop3A_248 = arith.constant 7 : i32
        %parallel_loop3A_249 = arith.index_cast %parallel_loop3A_248 : i32 to index
        %parallel_loop3A_250 = arith.index_cast %parallel_loop3A_239 : i32 to index
        %parallel_loop3A_251 = tpu.vector_load %arg6[%parallel_loop3A_249, %parallel_loop3A_250] {strides = array<i32>} : memref<8x2048xf32, #tpu.memory_space<vmem>>, vector<1x16xf32>,
        %parallel_loop3A_252 = vector.shape_cast %parallel_loop3A_251 : vector<1x16xf32> to vector<16xf32>
        %parallel_loop3A_253 = vector.shape_cast %parallel_loop3A_247 : vector<16xf32> to vector<1x16xf32>
        tpu.vector_store %arg6[%parallel_loop3A_249, %parallel_loop3A_250], %parallel_loop3A_253 {strides = array<i32>} : memref<8x2048xf32, #tpu.memory_space<vmem>>, vector<1x16xf32>,
      } {sc.loop_unroll_factor = 8 : i64, sc.parallel_access}
      %mul3A_181 = arith.constant 8 : i32
      %mul3A_182 = arith.muli %add3A_142, %mul3A_181 : i32
      %add3A_183 = arith.addi %add3A_4, %mul3A_182 : i32
      %dma_start3A_184 = arith.constant 0 : i32
      %dma_start3A_185 = tpu.memref_slice %arg3[%add3A_183, %dma_start3A_184] : memref<16384x2048xf32, #tpu.memory_space<hbm>> -> memref<8x2048xf32, #tpu.memory_space<hbm>>
      %dma_start3A_186 = arith.constant 0 : i32
      %dma_start3A_187 = tpu.memref_slice %arg3[%add3A_183, %dma_start3A_186] : memref<16384x2048xf32, #tpu.memory_space<hbm>> -> memref<8x2048xf32, #tpu.memory_space<hbm>>
      tpu.enqueue_dma source(%arg6 : memref<8x2048xf32, #tpu.memory_space<vmem>>) target(%dma_start3A_187 : memref<8x2048xf32, #tpu.memory_space<hbm>>) target_semaphore(%arg14 : memref<!tpu.dma_semaphore, #tpu.memory_space<semaphore_mem>>)
      %mul3A_188 = arith.constant 4 : i32
      %mul3A_189 = arith.muli %scan3A_44, %mul3A_188 : i32
      %add3A_190 = arith.constant 3 : i32
      %add3A_191 = arith.addi %mul3A_189, %add3A_190 : i32
      %add3A_192 = arith.constant 2 : i32
      %add3A_193 = arith.addi %add3A_191, %add3A_192 : i32
      %lt3A_194 = arith.constant 16 : i32
      %lt3A_195 = arith.cmpi slt, %add3A_193, %lt3A_194 : i32
      %convert_element_type3A_196 = arith.extui %lt3A_195 : i1 to i32
      %cond3A_197 = arith.constant 0 : i32
      %cond3A_198 = arith.cmpi ne, %convert_element_type3A_196, %cond3A_197 : i32
      scf.if %cond3A_198 {
        %ge3A = arith.constant 2 : i32
        %ge3A_237 = arith.cmpi sge, %add3A_191, %ge3A : i32
        %convert_element_type3A_238 = arith.extui %ge3A_237 : i1 to i32
        %cond3A_239 = arith.constant 0 : i32
        %cond3A_240 = arith.cmpi ne, %convert_element_type3A_238, %cond3A_239 : i32
        scf.if %cond3A_240 {
          %sub3A = arith.constant 2 : i32
          %sub3A_250 = arith.subi %add3A_191, %sub3A : i32
          %mul3A_251 = arith.constant 8 : i32
          %mul3A_252 = arith.muli %sub3A_250, %mul3A_251 : i32
          %add3A_253 = arith.addi %add3A_4, %mul3A_252 : i32
          %dma_wait3A_254 = arith.constant 0 : i32
          %dma_wait3A_255 = tpu.memref_slice %arg3[%add3A_253, %dma_wait3A_254] : memref<16384x2048xf32, #tpu.memory_space<hbm>> -> memref<8x2048xf32, #tpu.memory_space<hbm>>
          %dma_wait3A_256 = arith.constant 0 : i32
          %dma_wait3A_257 = tpu.memref_slice %arg3[%add3A_253, %dma_wait3A_256] : memref<16384x2048xf32, #tpu.memory_space<hbm>> -> memref<8x2048xf32, #tpu.memory_space<hbm>>
          tpu.wait_dma2 semaphore(%arg13 : memref<!tpu.dma_semaphore, #tpu.memory_space<semaphore_mem>>) src(%arg5 : memref<8x2048xf32, #tpu.memory_space<vmem>>) dst(%dma_wait3A_257 : memref<8x2048xf32, #tpu.memory_space<hbm>>)
        } else {
        }
        %add3A_241 = arith.constant 2 : i32
        %add3A_242 = arith.addi %add3A_191, %add3A_241 : i32
        %mul3A_243 = arith.constant 8 : i32
        %mul3A_244 = arith.muli %add3A_242, %mul3A_243 : i32
        %add3A_245 = arith.addi %add3A_4, %mul3A_244 : i32
        %dma_start3A_246 = arith.constant 0 : i32
        %dma_start3A_247 = tpu.memref_slice %arg2[%add3A_245, %dma_start3A_246] : memref<16384x2048xf32, #tpu.memory_space<hbm>> -> memref<8x2048xf32, #tpu.memory_space<hbm>>
        %dma_start3A_248 = arith.constant 0 : i32
        %dma_start3A_249 = tpu.memref_slice %arg2[%add3A_245, %dma_start3A_248] : memref<16384x2048xf32, #tpu.memory_space<hbm>> -> memref<8x2048xf32, #tpu.memory_space<hbm>>
        tpu.enqueue_dma source(%dma_start3A_249 : memref<8x2048xf32, #tpu.memory_space<hbm>>) target(%arg5 : memref<8x2048xf32, #tpu.memory_space<vmem>>) target_semaphore(%arg9 : memref<!tpu.dma_semaphore, #tpu.memory_space<semaphore_mem>>)
      } else {
      }
      %mul3A_199 = arith.constant 8 : i32
      %mul3A_200 = arith.muli %add3A_191, %mul3A_199 : i32
      %add3A_201 = arith.addi %add3A_4, %mul3A_200 : i32
      %dma_wait3A_202 = arith.constant 0 : i32
      %dma_wait3A_203 = tpu.memref_slice %arg2[%add3A_201, %dma_wait3A_202] : memref<16384x2048xf32, #tpu.memory_space<hbm>> -> memref<8x2048xf32, #tpu.memory_space<hbm>>
      %dma_wait3A_204 = arith.constant 0 : i32
      %dma_wait3A_205 = tpu.memref_slice %arg2[%add3A_201, %dma_wait3A_204] : memref<16384x2048xf32, #tpu.memory_space<hbm>> -> memref<8x2048xf32, #tpu.memory_space<hbm>>
      tpu.wait_dma2 semaphore(%arg11 : memref<!tpu.dma_semaphore, #tpu.memory_space<semaphore_mem>>) src(%dma_wait3A_205 : memref<8x2048xf32, #tpu.memory_space<hbm>>) dst(%arg7 : memref<8x2048xf32, #tpu.memory_space<vmem>>)
      %parallel_loop3A_206 = arith.constant 0 : i32
      %parallel_loop3A_207 = arith.constant 128 : i32
      %parallel_loop3A_208 = arith.constant 1 : i32
      scf.for %parallel_loop3A_237 = %parallel_loop3A_206 to %parallel_loop3A_207 step %parallel_loop3A_208  : i32 {
        %parallel_loop3A_238 = arith.constant 16 : i32
        %parallel_loop3A_239 = arith.muli %parallel_loop3A_237, %parallel_loop3A_238 : i32
        %parallel_loop3A_240 = arith.constant 0 : i32
        %parallel_loop3A_241 = arith.index_cast %parallel_loop3A_240 : i32 to index
        %parallel_loop3A_242 = arith.index_cast %parallel_loop3A_239 : i32 to index
        %parallel_loop3A_243 = tpu.vector_load %arg7[%parallel_loop3A_241, %parallel_loop3A_242] {strides = array<i32>} : memref<8x2048xf32, #tpu.memory_space<vmem>>, vector<1x16xf32>,
        %parallel_loop3A_244 = vector.shape_cast %parallel_loop3A_243 : vector<1x16xf32> to vector<16xf32>
        %parallel_loop3A_245 = arith.constant 0.000000e+00 : f32
        %parallel_loop3A_246 = vector.broadcast %parallel_loop3A_245 : f32 to vector<16xf32>
        %parallel_loop3A_247 = arith.maximumf %parallel_loop3A_244, %parallel_loop3A_246 : vector<16xf32>
        %parallel_loop3A_248 = arith.constant 0 : i32
        %parallel_loop3A_249 = arith.index_cast %parallel_loop3A_248 : i32 to index
        %parallel_loop3A_250 = arith.index_cast %parallel_loop3A_239 : i32 to index
        %parallel_loop3A_251 = tpu.vector_load %arg7[%parallel_loop3A_249, %parallel_loop3A_250] {strides = array<i32>} : memref<8x2048xf32, #tpu.memory_space<vmem>>, vector<1x16xf32>,
        %parallel_loop3A_252 = vector.shape_cast %parallel_loop3A_251 : vector<1x16xf32> to vector<16xf32>
        %parallel_loop3A_253 = vector.shape_cast %parallel_loop3A_247 : vector<16xf32> to vector<1x16xf32>
        tpu.vector_store %arg7[%parallel_loop3A_249, %parallel_loop3A_250], %parallel_loop3A_253 {strides = array<i32>} : memref<8x2048xf32, #tpu.memory_space<vmem>>, vector<1x16xf32>,
      } {sc.loop_unroll_factor = 8 : i64, sc.parallel_access}
      %parallel_loop3A_209 = arith.constant 0 : i32
      %parallel_loop3A_210 = arith.constant 128 : i32
      %parallel_loop3A_211 = arith.constant 1 : i32
      scf.for %parallel_loop3A_237 = %parallel_loop3A_209 to %parallel_loop3A_210 step %parallel_loop3A_211  : i32 {
        %parallel_loop3A_238 = arith.constant 16 : i32
        %parallel_loop3A_239 = arith.muli %parallel_loop3A_237, %parallel_loop3A_238 : i32
        %parallel_loop3A_240 = arith.constant 1 : i32
        %parallel_loop3A_241 = arith.index_cast %parallel_loop3A_240 : i32 to index
        %parallel_loop3A_242 = arith.index_cast %parallel_loop3A_239 : i32 to index
        %parallel_loop3A_243 = tpu.vector_load %arg7[%parallel_loop3A_241, %parallel_loop3A_242] {strides = array<i32>} : memref<8x2048xf32, #tpu.memory_space<vmem>>, vector<1x16xf32>,
        %parallel_loop3A_244 = vector.shape_cast %parallel_loop3A_243 : vector<1x16xf32> to vector<16xf32>
        %parallel_loop3A_245 = arith.constant 0.000000e+00 : f32
        %parallel_loop3A_246 = vector.broadcast %parallel_loop3A_245 : f32 to vector<16xf32>
        %parallel_loop3A_247 = arith.maximumf %parallel_loop3A_244, %parallel_loop3A_246 : vector<16xf32>
        %parallel_loop3A_248 = arith.constant 1 : i32
        %parallel_loop3A_249 = arith.index_cast %parallel_loop3A_248 : i32 to index
        %parallel_loop3A_250 = arith.index_cast %parallel_loop3A_239 : i32 to index
        %parallel_loop3A_251 = tpu.vector_load %arg7[%parallel_loop3A_249, %parallel_loop3A_250] {strides = array<i32>} : memref<8x2048xf32, #tpu.memory_space<vmem>>, vector<1x16xf32>,
        %parallel_loop3A_252 = vector.shape_cast %parallel_loop3A_251 : vector<1x16xf32> to vector<16xf32>
        %parallel_loop3A_253 = vector.shape_cast %parallel_loop3A_247 : vector<16xf32> to vector<1x16xf32>
        tpu.vector_store %arg7[%parallel_loop3A_249, %parallel_loop3A_250], %parallel_loop3A_253 {strides = array<i32>} : memref<8x2048xf32, #tpu.memory_space<vmem>>, vector<1x16xf32>,
      } {sc.loop_unroll_factor = 8 : i64, sc.parallel_access}
      %parallel_loop3A_212 = arith.constant 0 : i32
      %parallel_loop3A_213 = arith.constant 128 : i32
      %parallel_loop3A_214 = arith.constant 1 : i32
      scf.for %parallel_loop3A_237 = %parallel_loop3A_212 to %parallel_loop3A_213 step %parallel_loop3A_214  : i32 {
        %parallel_loop3A_238 = arith.constant 16 : i32
        %parallel_loop3A_239 = arith.muli %parallel_loop3A_237, %parallel_loop3A_238 : i32
        %parallel_loop3A_240 = arith.constant 2 : i32
        %parallel_loop3A_241 = arith.index_cast %parallel_loop3A_240 : i32 to index
        %parallel_loop3A_242 = arith.index_cast %parallel_loop3A_239 : i32 to index
        %parallel_loop3A_243 = tpu.vector_load %arg7[%parallel_loop3A_241, %parallel_loop3A_242] {strides = array<i32>} : memref<8x2048xf32, #tpu.memory_space<vmem>>, vector<1x16xf32>,
        %parallel_loop3A_244 = vector.shape_cast %parallel_loop3A_243 : vector<1x16xf32> to vector<16xf32>
        %parallel_loop3A_245 = arith.constant 0.000000e+00 : f32
        %parallel_loop3A_246 = vector.broadcast %parallel_loop3A_245 : f32 to vector<16xf32>
        %parallel_loop3A_247 = arith.maximumf %parallel_loop3A_244, %parallel_loop3A_246 : vector<16xf32>
        %parallel_loop3A_248 = arith.constant 2 : i32
        %parallel_loop3A_249 = arith.index_cast %parallel_loop3A_248 : i32 to index
        %parallel_loop3A_250 = arith.index_cast %parallel_loop3A_239 : i32 to index
        %parallel_loop3A_251 = tpu.vector_load %arg7[%parallel_loop3A_249, %parallel_loop3A_250] {strides = array<i32>} : memref<8x2048xf32, #tpu.memory_space<vmem>>, vector<1x16xf32>,
        %parallel_loop3A_252 = vector.shape_cast %parallel_loop3A_251 : vector<1x16xf32> to vector<16xf32>
        %parallel_loop3A_253 = vector.shape_cast %parallel_loop3A_247 : vector<16xf32> to vector<1x16xf32>
        tpu.vector_store %arg7[%parallel_loop3A_249, %parallel_loop3A_250], %parallel_loop3A_253 {strides = array<i32>} : memref<8x2048xf32, #tpu.memory_space<vmem>>, vector<1x16xf32>,
      } {sc.loop_unroll_factor = 8 : i64, sc.parallel_access}
      %parallel_loop3A_215 = arith.constant 0 : i32
      %parallel_loop3A_216 = arith.constant 128 : i32
      %parallel_loop3A_217 = arith.constant 1 : i32
      scf.for %parallel_loop3A_237 = %parallel_loop3A_215 to %parallel_loop3A_216 step %parallel_loop3A_217  : i32 {
        %parallel_loop3A_238 = arith.constant 16 : i32
        %parallel_loop3A_239 = arith.muli %parallel_loop3A_237, %parallel_loop3A_238 : i32
        %parallel_loop3A_240 = arith.constant 3 : i32
        %parallel_loop3A_241 = arith.index_cast %parallel_loop3A_240 : i32 to index
        %parallel_loop3A_242 = arith.index_cast %parallel_loop3A_239 : i32 to index
        %parallel_loop3A_243 = tpu.vector_load %arg7[%parallel_loop3A_241, %parallel_loop3A_242] {strides = array<i32>} : memref<8x2048xf32, #tpu.memory_space<vmem>>, vector<1x16xf32>,
        %parallel_loop3A_244 = vector.shape_cast %parallel_loop3A_243 : vector<1x16xf32> to vector<16xf32>
        %parallel_loop3A_245 = arith.constant 0.000000e+00 : f32
        %parallel_loop3A_246 = vector.broadcast %parallel_loop3A_245 : f32 to vector<16xf32>
        %parallel_loop3A_247 = arith.maximumf %parallel_loop3A_244, %parallel_loop3A_246 : vector<16xf32>
        %parallel_loop3A_248 = arith.constant 3 : i32
        %parallel_loop3A_249 = arith.index_cast %parallel_loop3A_248 : i32 to index
        %parallel_loop3A_250 = arith.index_cast %parallel_loop3A_239 : i32 to index
        %parallel_loop3A_251 = tpu.vector_load %arg7[%parallel_loop3A_249, %parallel_loop3A_250] {strides = array<i32>} : memref<8x2048xf32, #tpu.memory_space<vmem>>, vector<1x16xf32>,
        %parallel_loop3A_252 = vector.shape_cast %parallel_loop3A_251 : vector<1x16xf32> to vector<16xf32>
        %parallel_loop3A_253 = vector.shape_cast %parallel_loop3A_247 : vector<16xf32> to vector<1x16xf32>
        tpu.vector_store %arg7[%parallel_loop3A_249, %parallel_loop3A_250], %parallel_loop3A_253 {strides = array<i32>} : memref<8x2048xf32, #tpu.memory_space<vmem>>, vector<1x16xf32>,
      } {sc.loop_unroll_factor = 8 : i64, sc.parallel_access}
      %parallel_loop3A_218 = arith.constant 0 : i32
      %parallel_loop3A_219 = arith.constant 128 : i32
      %parallel_loop3A_220 = arith.constant 1 : i32
      scf.for %parallel_loop3A_237 = %parallel_loop3A_218 to %parallel_loop3A_219 step %parallel_loop3A_220  : i32 {
        %parallel_loop3A_238 = arith.constant 16 : i32
        %parallel_loop3A_239 = arith.muli %parallel_loop3A_237, %parallel_loop3A_238 : i32
        %parallel_loop3A_240 = arith.constant 4 : i32
        %parallel_loop3A_241 = arith.index_cast %parallel_loop3A_240 : i32 to index
        %parallel_loop3A_242 = arith.index_cast %parallel_loop3A_239 : i32 to index
        %parallel_loop3A_243 = tpu.vector_load %arg7[%parallel_loop3A_241, %parallel_loop3A_242] {strides = array<i32>} : memref<8x2048xf32, #tpu.memory_space<vmem>>, vector<1x16xf32>,
        %parallel_loop3A_244 = vector.shape_cast %parallel_loop3A_243 : vector<1x16xf32> to vector<16xf32>
        %parallel_loop3A_245 = arith.constant 0.000000e+00 : f32
        %parallel_loop3A_246 = vector.broadcast %parallel_loop3A_245 : f32 to vector<16xf32>
        %parallel_loop3A_247 = arith.maximumf %parallel_loop3A_244, %parallel_loop3A_246 : vector<16xf32>
        %parallel_loop3A_248 = arith.constant 4 : i32
        %parallel_loop3A_249 = arith.index_cast %parallel_loop3A_248 : i32 to index
        %parallel_loop3A_250 = arith.index_cast %parallel_loop3A_239 : i32 to index
        %parallel_loop3A_251 = tpu.vector_load %arg7[%parallel_loop3A_249, %parallel_loop3A_250] {strides = array<i32>} : memref<8x2048xf32, #tpu.memory_space<vmem>>, vector<1x16xf32>,
        %parallel_loop3A_252 = vector.shape_cast %parallel_loop3A_251 : vector<1x16xf32> to vector<16xf32>
        %parallel_loop3A_253 = vector.shape_cast %parallel_loop3A_247 : vector<16xf32> to vector<1x16xf32>
        tpu.vector_store %arg7[%parallel_loop3A_249, %parallel_loop3A_250], %parallel_loop3A_253 {strides = array<i32>} : memref<8x2048xf32, #tpu.memory_space<vmem>>, vector<1x16xf32>,
      } {sc.loop_unroll_factor = 8 : i64, sc.parallel_access}
      %parallel_loop3A_221 = arith.constant 0 : i32
      %parallel_loop3A_222 = arith.constant 128 : i32
      %parallel_loop3A_223 = arith.constant 1 : i32
      scf.for %parallel_loop3A_237 = %parallel_loop3A_221 to %parallel_loop3A_222 step %parallel_loop3A_223  : i32 {
        %parallel_loop3A_238 = arith.constant 16 : i32
        %parallel_loop3A_239 = arith.muli %parallel_loop3A_237, %parallel_loop3A_238 : i32
        %parallel_loop3A_240 = arith.constant 5 : i32
        %parallel_loop3A_241 = arith.index_cast %parallel_loop3A_240 : i32 to index
        %parallel_loop3A_242 = arith.index_cast %parallel_loop3A_239 : i32 to index
        %parallel_loop3A_243 = tpu.vector_load %arg7[%parallel_loop3A_241, %parallel_loop3A_242] {strides = array<i32>} : memref<8x2048xf32, #tpu.memory_space<vmem>>, vector<1x16xf32>,
        %parallel_loop3A_244 = vector.shape_cast %parallel_loop3A_243 : vector<1x16xf32> to vector<16xf32>
        %parallel_loop3A_245 = arith.constant 0.000000e+00 : f32
        %parallel_loop3A_246 = vector.broadcast %parallel_loop3A_245 : f32 to vector<16xf32>
        %parallel_loop3A_247 = arith.maximumf %parallel_loop3A_244, %parallel_loop3A_246 : vector<16xf32>
        %parallel_loop3A_248 = arith.constant 5 : i32
        %parallel_loop3A_249 = arith.index_cast %parallel_loop3A_248 : i32 to index
        %parallel_loop3A_250 = arith.index_cast %parallel_loop3A_239 : i32 to index
        %parallel_loop3A_251 = tpu.vector_load %arg7[%parallel_loop3A_249, %parallel_loop3A_250] {strides = array<i32>} : memref<8x2048xf32, #tpu.memory_space<vmem>>, vector<1x16xf32>,
        %parallel_loop3A_252 = vector.shape_cast %parallel_loop3A_251 : vector<1x16xf32> to vector<16xf32>
        %parallel_loop3A_253 = vector.shape_cast %parallel_loop3A_247 : vector<16xf32> to vector<1x16xf32>
        tpu.vector_store %arg7[%parallel_loop3A_249, %parallel_loop3A_250], %parallel_loop3A_253 {strides = array<i32>} : memref<8x2048xf32, #tpu.memory_space<vmem>>, vector<1x16xf32>,
      } {sc.loop_unroll_factor = 8 : i64, sc.parallel_access}
      %parallel_loop3A_224 = arith.constant 0 : i32
      %parallel_loop3A_225 = arith.constant 128 : i32
      %parallel_loop3A_226 = arith.constant 1 : i32
      scf.for %parallel_loop3A_237 = %parallel_loop3A_224 to %parallel_loop3A_225 step %parallel_loop3A_226  : i32 {
        %parallel_loop3A_238 = arith.constant 16 : i32
        %parallel_loop3A_239 = arith.muli %parallel_loop3A_237, %parallel_loop3A_238 : i32
        %parallel_loop3A_240 = arith.constant 6 : i32
        %parallel_loop3A_241 = arith.index_cast %parallel_loop3A_240 : i32 to index
        %parallel_loop3A_242 = arith.index_cast %parallel_loop3A_239 : i32 to index
        %parallel_loop3A_243 = tpu.vector_load %arg7[%parallel_loop3A_241, %parallel_loop3A_242] {strides = array<i32>} : memref<8x2048xf32, #tpu.memory_space<vmem>>, vector<1x16xf32>,
        %parallel_loop3A_244 = vector.shape_cast %parallel_loop3A_243 : vector<1x16xf32> to vector<16xf32>
        %parallel_loop3A_245 = arith.constant 0.000000e+00 : f32
        %parallel_loop3A_246 = vector.broadcast %parallel_loop3A_245 : f32 to vector<16xf32>
        %parallel_loop3A_247 = arith.maximumf %parallel_loop3A_244, %parallel_loop3A_246 : vector<16xf32>
        %parallel_loop3A_248 = arith.constant 6 : i32
        %parallel_loop3A_249 = arith.index_cast %parallel_loop3A_248 : i32 to index
        %parallel_loop3A_250 = arith.index_cast %parallel_loop3A_239 : i32 to index
        %parallel_loop3A_251 = tpu.vector_load %arg7[%parallel_loop3A_249, %parallel_loop3A_250] {strides = array<i32>} : memref<8x2048xf32, #tpu.memory_space<vmem>>, vector<1x16xf32>,
        %parallel_loop3A_252 = vector.shape_cast %parallel_loop3A_251 : vector<1x16xf32> to vector<16xf32>
        %parallel_loop3A_253 = vector.shape_cast %parallel_loop3A_247 : vector<16xf32> to vector<1x16xf32>
        tpu.vector_store %arg7[%parallel_loop3A_249, %parallel_loop3A_250], %parallel_loop3A_253 {strides = array<i32>} : memref<8x2048xf32, #tpu.memory_space<vmem>>, vector<1x16xf32>,
      } {sc.loop_unroll_factor = 8 : i64, sc.parallel_access}
      %parallel_loop3A_227 = arith.constant 0 : i32
      %parallel_loop3A_228 = arith.constant 128 : i32
      %parallel_loop3A_229 = arith.constant 1 : i32
      scf.for %parallel_loop3A_237 = %parallel_loop3A_227 to %parallel_loop3A_228 step %parallel_loop3A_229  : i32 {
        %parallel_loop3A_238 = arith.constant 16 : i32
        %parallel_loop3A_239 = arith.muli %parallel_loop3A_237, %parallel_loop3A_238 : i32
        %parallel_loop3A_240 = arith.constant 7 : i32
        %parallel_loop3A_241 = arith.index_cast %parallel_loop3A_240 : i32 to index
        %parallel_loop3A_242 = arith.index_cast %parallel_loop3A_239 : i32 to index
        %parallel_loop3A_243 = tpu.vector_load %arg7[%parallel_loop3A_241, %parallel_loop3A_242] {strides = array<i32>} : memref<8x2048xf32, #tpu.memory_space<vmem>>, vector<1x16xf32>,
        %parallel_loop3A_244 = vector.shape_cast %parallel_loop3A_243 : vector<1x16xf32> to vector<16xf32>
        %parallel_loop3A_245 = arith.constant 0.000000e+00 : f32
        %parallel_loop3A_246 = vector.broadcast %parallel_loop3A_245 : f32 to vector<16xf32>
        %parallel_loop3A_247 = arith.maximumf %parallel_loop3A_244, %parallel_loop3A_246 : vector<16xf32>
        %parallel_loop3A_248 = arith.constant 7 : i32
        %parallel_loop3A_249 = arith.index_cast %parallel_loop3A_248 : i32 to index
        %parallel_loop3A_250 = arith.index_cast %parallel_loop3A_239 : i32 to index
        %parallel_loop3A_251 = tpu.vector_load %arg7[%parallel_loop3A_249, %parallel_loop3A_250] {strides = array<i32>} : memref<8x2048xf32, #tpu.memory_space<vmem>>, vector<1x16xf32>,
        %parallel_loop3A_252 = vector.shape_cast %parallel_loop3A_251 : vector<1x16xf32> to vector<16xf32>
        %parallel_loop3A_253 = vector.shape_cast %parallel_loop3A_247 : vector<16xf32> to vector<1x16xf32>
        tpu.vector_store %arg7[%parallel_loop3A_249, %parallel_loop3A_250], %parallel_loop3A_253 {strides = array<i32>} : memref<8x2048xf32, #tpu.memory_space<vmem>>, vector<1x16xf32>,
      } {sc.loop_unroll_factor = 8 : i64, sc.parallel_access}
      %mul3A_230 = arith.constant 8 : i32
      %mul3A_231 = arith.muli %add3A_191, %mul3A_230 : i32
      %add3A_232 = arith.addi %add3A_4, %mul3A_231 : i32
      %dma_start3A_233 = arith.constant 0 : i32
      %dma_start3A_234 = tpu.memref_slice %arg3[%add3A_232, %dma_start3A_233] : memref<16384x2048xf32, #tpu.memory_space<hbm>> -> memref<8x2048xf32, #tpu.memory_space<hbm>>
      %dma_start3A_235 = arith.constant 0 : i32
      %dma_start3A_236 = tpu.memref_slice %arg3[%add3A_232, %dma_start3A_235] : memref<16384x2048xf32, #tpu.memory_space<hbm>> -> memref<8x2048xf32, #tpu.memory_space<hbm>>
      tpu.enqueue_dma source(%arg7 : memref<8x2048xf32, #tpu.memory_space<vmem>>) target(%dma_start3A_236 : memref<8x2048xf32, #tpu.memory_space<hbm>>) target_semaphore(%arg15 : memref<!tpu.dma_semaphore, #tpu.memory_space<semaphore_mem>>)
    }
    %scan3A_20 = arith.constant 4 : i32
    %add3A_21 = arith.constant 96 : i32
    %add3A_22 = arith.addi %add3A_4, %add3A_21 : i32
    %dma_wait3A = arith.constant 0 : i32
    %dma_wait3A_23 = tpu.memref_slice %arg3[%add3A_22, %dma_wait3A] : memref<16384x2048xf32, #tpu.memory_space<hbm>> -> memref<8x2048xf32, #tpu.memory_space<hbm>>
    %dma_wait3A_24 = arith.constant 0 : i32
    %dma_wait3A_25 = tpu.memref_slice %arg3[%add3A_22, %dma_wait3A_24] : memref<16384x2048xf32, #tpu.memory_space<hbm>> -> memref<8x2048xf32, #tpu.memory_space<hbm>>
    tpu.wait_dma2 semaphore(%arg12 : memref<!tpu.dma_semaphore, #tpu.memory_space<semaphore_mem>>) src(%arg4 : memref<8x2048xf32, #tpu.memory_space<vmem>>) dst(%dma_wait3A_25 : memref<8x2048xf32, #tpu.memory_space<hbm>>)
    %add3A_26 = arith.constant 104 : i32
    %add3A_27 = arith.addi %add3A_4, %add3A_26 : i32
    %dma_wait3A_28 = arith.constant 0 : i32
    %dma_wait3A_29 = tpu.memref_slice %arg3[%add3A_27, %dma_wait3A_28] : memref<16384x2048xf32, #tpu.memory_space<hbm>> -> memref<8x2048xf32, #tpu.memory_space<hbm>>
    %dma_wait3A_30 = arith.constant 0 : i32
    %dma_wait3A_31 = tpu.memref_slice %arg3[%add3A_27, %dma_wait3A_30] : memref<16384x2048xf32, #tpu.memory_space<hbm>> -> memref<8x2048xf32, #tpu.memory_space<hbm>>
    tpu.wait_dma2 semaphore(%arg13 : memref<!tpu.dma_semaphore, #tpu.memory_space<semaphore_mem>>) src(%arg5 : memref<8x2048xf32, #tpu.memory_space<vmem>>) dst(%dma_wait3A_31 : memref<8x2048xf32, #tpu.memory_space<hbm>>)
    %add3A_32 = arith.constant 112 : i32
    %add3A_33 = arith.addi %add3A_4, %add3A_32 : i32
    %dma_wait3A_34 = arith.constant 0 : i32
    %dma_wait3A_35 = tpu.memref_slice %arg3[%add3A_33, %dma_wait3A_34] : memref<16384x2048xf32, #tpu.memory_space<hbm>> -> memref<8x2048xf32, #tpu.memory_space<hbm>>
    %dma_wait3A_36 = arith.constant 0 : i32
    %dma_wait3A_37 = tpu.memref_slice %arg3[%add3A_33, %dma_wait3A_36] : memref<16384x2048xf32, #tpu.memory_space<hbm>> -> memref<8x2048xf32, #tpu.memory_space<hbm>>
    tpu.wait_dma2 semaphore(%arg14 : memref<!tpu.dma_semaphore, #tpu.memory_space<semaphore_mem>>) src(%arg6 : memref<8x2048xf32, #tpu.memory_space<vmem>>) dst(%dma_wait3A_37 : memref<8x2048xf32, #tpu.memory_space<hbm>>)
    %add3A_38 = arith.constant 120 : i32
    %add3A_39 = arith.addi %add3A_4, %add3A_38 : i32
    %dma_wait3A_40 = arith.constant 0 : i32
    %dma_wait3A_41 = tpu.memref_slice %arg3[%add3A_39, %dma_wait3A_40] : memref<16384x2048xf32, #tpu.memory_space<hbm>> -> memref<8x2048xf32, #tpu.memory_space<hbm>>
    %dma_wait3A_42 = arith.constant 0 : i32
    %dma_wait3A_43 = tpu.memref_slice %arg3[%add3A_39, %dma_wait3A_42] : memref<16384x2048xf32, #tpu.memory_space<hbm>> -> memref<8x2048xf32, #tpu.memory_space<hbm>>
    tpu.wait_dma2 semaphore(%arg15 : memref<!tpu.dma_semaphore, #tpu.memory_space<semaphore_mem>>) src(%arg7 : memref<8x2048xf32, #tpu.memory_space<vmem>>) dst(%dma_wait3A_43 : memref<8x2048xf32, #tpu.memory_space<hbm>>)
    return
  }
}

module attributes {stable_mosaic.version = 14 : i64} {
  func.func @_tc_block(%arg0: i32, %arg1: memref<1024x2048xf32, #tpu.memory_space<vmem>>, %arg2: memref<16384x2048xf32, #tpu.memory_space<hbm>>, %arg3: memref<1024x2048xf32, #tpu.memory_space<vmem>>) attributes {dimension_semantics = [#tpu.dimension_semantics<arbitrary>], iteration_bounds = array<i64: 12>, scalar_prefetch = 0 : i64, scratch_operands = 0 : i64, tpu.core_type = #tpu.core_type<tc>, window_params = [{transform_indices = @transform_0, window_bounds = array<i64: 1024, 2048>}, {}, {transform_indices = @transform_2, window_bounds = array<i64: 1024, 2048>}]} {
    %get3A = arith.constant 0 : index
    %get3A_0 = arith.constant 0 : index
    %get3A_1 = vector.load %arg1[%get3A, %get3A_0] : memref<1024x2048xf32, #tpu.memory_space<vmem>>, vector<1024x2048xf32>
    %max3A = arith.constant 0.000000e+00 : f32
    %max3A_2 = vector.broadcast %max3A : f32 to vector<1024x2048xf32>
    %max3A_3 = arith.maximumf %get3A_1, %max3A_2 : vector<1024x2048xf32>
    %swap3A = arith.constant 0 : index
    %swap3A_4 = arith.constant 0 : index
    %swap3A_5 = vector.load %arg3[%swap3A, %swap3A_4] : memref<1024x2048xf32, #tpu.memory_space<vmem>>, vector<1024x2048xf32>
    tpu.vector_store %arg3[%swap3A, %swap3A_4], %max3A_3 {strides = array<i32>} : memref<1024x2048xf32, #tpu.memory_space<vmem>>, vector<1024x2048xf32>,
    return
  }
  func.func @transform_0(%arg0: i32) -> (i32, i32) {
    %c0_i32 = arith.constant 0 : i32
    %c0_i32_0 = arith.constant 0 : i32
    return %arg0, %c0_i32 : i32, i32
  }
  func.func @transform_2(%arg0: i32) -> (i32, i32) {
    %c0_i32 = arith.constant 0 : i32
    %c0_i32_0 = arith.constant 0 : i32
    return %arg0, %c0_i32 : i32, i32
  }
}

</mosaic_0001>

<sc_bundles>
// kernel: _hybrid_relu.4.cloned.1.call-start
scs
__scs_entry_jumppad:
0x0: {  	(pc) =	sbr.rel $0x88, $3  }
0x1: {  	(tag) =	ssettag $0x0;
	lr =	simm.s32 $0x1  }
0x2: {  	[smem:$0x3FA0] =	sst lr;
	_ =	strace $0xD0000000  }
0x3: {  	_ = 	snop  }
0x4: {  	_ = 	snop  }
0x5: {  	_ = 	snop  }
0x6: {  	_ = 	snop  }
0x7: {  	_ = 	snop  }
__scs_overlays_trampoline_lowered:
0x8: {  	[smem:$0x3FAF] =	sst s0  }
0x9: {  	[smem:$0x3FB0] =	sst s1  }
0xa: {  	[smem:$0x3FB1] =	sst s2  }
0xb: {  	[smem:$0x3FB2] =	sst s3  }
0xc: {  	[smem:$0x3FB3] =	sst s4  }
0xd: {  	[smem:$0x3FB4] =	sst s5  }
0xe: {  	[smem:$0x3FB5] =	sst s6  }
0xf: {  	[smem:$0x3FB6] =	sst s7  }
0x10: {  	[smem:$0x3FB7] =	sst s8  }
0x11: {  	[smem:$0x3FB8] =	sst s9;
	s0 =	simm.s32 @!p0 $0x0  }
0x12: {  	s1 =	sld [smem:$0x3F9E];
	s0 =	simm.s32 @p0 $0x1  }
0x13: {  	[smem:$0x3FB9] =	sst s0;
	s0 =	simm.s32 @!p1 $0x0  }
0x14: {  	s2 =	sld [smem:$0x3F9D];
	s0 =	simm.s32 @p1 $0x1  }
0x15: {  	[smem:$0x3FBA] =	sst s0;
	s0 =	simm.s32 @!p2 $0x0  }
0x16: {  	s3 =	sld [smem:$0x3FDB];
	s0 =	simm.s32 @p2 $0x1  }
0x17: {  	s4 =	simm.s32 $0x1BF5;
	[smem:$0x3FBC] =	sst s0  }
0x18: {  	s0 =	sld [smem:$0x3F9F];
	_ =	swait.ge [sflag:s4], $0x0  }
0x19: {  	s7 =	sld [smem:$0x3FA0]  }
0x1a: {  	s8 =	sadd.s32 $0xFFFFE003, lr  }
0x1b: {  	s9 =	sadd.s32 $0xFFFFFEF7, lr;
	s5 =	simm.s32 $0xFFFFFFFF;
	p2 =	slt.u32 s8, $0xFFFFF086  }
0x1c: {  	p1 =	slt.u32 s9, $0xF7A;
	s5 =	simm.s32 @!p2 $0x0  }
0x1d: {  	s5 =	simm.s32 @p1 $0x1;
	p0 =	seq.s32 s7, s2  }
0x1e: {  	s7 =	smul.u32 @!p0 $0xF7A, s2;
	p2 =	seq.s32 @!p0 s5, $0x0  }
0x1f: {  	s9 =	smul.u32 $0xF7A, s1;
	s8 =	simm.s32 @!p0 $0x1BF5;
	p2 =	por !p2, p0  }
0x20: {  	[sflag:s8] =	ssyncset.s32 @!p0 $0xFFFFF086;
	s6 =	sadd.s32 @!p0 s3, s7;
	s7 =	simm.s32 @!p0 $0x108  }
0x21: {  	s3 =	sadd.s32 s3, s9;
	s6 =	sadd.s32 @!p0 $0x88, s6;
	s7 =	simm.s32 @p2 $0x1082  }
0x22: {  	[simem:s7], [sflag:s8] =	dma.local @!p0 [hbm:s6], $0xF7A  }
0x23: {  	s9 =	sor.u32 $0xD0000000, s2;
	s6 =	simm.s32 $0x108;
	_ =	swait.ge @!p0 [sflag:s8], $0x0  }
0x24: {  	s3 =	sadd.s32 $0x88, s3;
	s6 =	simm.s32 @!p1 $0x1082;
	[sflag:s4] =	ssyncset.s32 $0xFFFFF086  }
0x25: {  	[simem:s6], [sflag:s4] =	dma.local [hbm:s3], $0xF7A  }
0x26: {  	[smem:$0x3FA0] =	sst s1;
	(tag) =	ssettag s2;
	_ =	strace s9  }
0x27: {  	s1 =	sld [smem:$0x3FB0]  }
0x28: {  	s2 =	sld [smem:$0x3FB1]  }
0x29: {  	s4 =	sld [smem:$0x3FB3]  }
0x2a: {  	p0 =	seq.s32 s5, $0x0;
	s5 =	sld [smem:$0x3FB4]  }
0x2b: {  	s6 =	sld [smem:$0x3FB5]  }
0x2c: {  	s7 =	sld [smem:$0x3FB6]  }
0x2d: {  	s3 =	simm.s32 $0x108;
	s8 =	sld [smem:$0x3FB7]  }
0x2e: {  	s3 =	simm.s32 @!p0 $0x1082;
	s9 =	sld [smem:$0x3FB8]  }
0x2f: {  	lr =	sadd.s32 s0, s3;
	s0 =	sld [smem:$0x3FAF]  }
0x30: {  	s3 =	sld [smem:$0x3FB2]  }
0x31: {  	[smem:$0x3FBB] =	sst s10  }
0x32: {  	s10 =	sld [smem:$0x3FB9];
	_ =	sdelay $0x3  }
0x33: {  	p0 =	seq.s32 s10, $0x1;
	s10 =	sld [smem:$0x3FBB];
	_ =	sdelay $0x3  }
0x34: {  	[smem:$0x3FBB] =	sst s10  }
0x35: {  	s10 =	sld [smem:$0x3FBA];
	_ =	sdelay $0x3  }
0x36: {  	p1 =	seq.s32 s10, $0x1;
	s10 =	sld [smem:$0x3FBB];
	_ =	sdelay $0x3  }
0x37: {  	[smem:$0x3FBB] =	sst s10  }
0x38: {  	s10 =	sld [smem:$0x3FBC]  }
0x39: {  	_ = 	snop;
	(pc) =	sbr.ind lr, $3  }
0x3a: {  	_ = 	snop  }
0x3b: {  	_ = 	snop  }
0x3c: {  	p2 =	seq.s32 s10, $0x1;
	s10 =	sld [smem:$0x3FBB]  }
0x3d: {  	_ =	shalt  }
0x3e: {  	_ =	shalt  }
0x3f: {  	_ =	shalt  }
0x40: {  	_ =	shalt  }
0x41: {  	_ =	shalt  }
0x42: {  	_ =	shalt  }
0x43: {  	_ =	shalt  }
0x44: {  	_ =	shalt  }
0x45: {  	_ =	shalt  }
0x46: {  	_ =	shalt  }
0x47: {  	_ =	shalt  }
0x48: {  	_ =	shalt  }
0x49: {  	_ =	shalt  }
0x4a: {  	_ =	shalt  }
0x4b: {  	_ =	shalt  }
0x4c: {  	_ =	shalt  }
0x4d: {  	_ =	shalt  }
0x4e: {  	_ =	shalt  }
0x4f: {  	_ =	shalt  }
0x50: {  	_ =	shalt  }
0x51: {  	_ =	shalt  }
0x52: {  	_ =	shalt  }
0x53: {  	_ =	shalt  }
0x54: {  	_ =	shalt  }
0x55: {  	_ =	shalt  }
0x56: {  	_ =	shalt  }
0x57: {  	_ =	shalt  }
0x58: {  	_ =	shalt  }
0x59: {  	_ =	shalt  }
0x5a: {  	_ =	shalt  }
0x5b: {  	_ =	shalt  }
0x5c: {  	_ =	shalt  }
0x5d: {  	_ =	shalt  }
0x5e: {  	_ =	shalt  }
0x5f: {  	_ =	shalt  }
0x60: {  	_ =	shalt  }
0x61: {  	_ =	shalt  }
0x62: {  	_ =	shalt  }
0x63: {  	_ =	shalt  }
0x64: {  	_ =	shalt  }
0x65: {  	_ =	shalt  }
0x66: {  	_ =	shalt  }
0x67: {  	_ =	shalt  }
0x68: {  	_ =	shalt  }
0x69: {  	_ =	shalt  }
0x6a: {  	_ =	shalt  }
0x6b: {  	_ =	shalt  }
0x6c: {  	_ =	shalt  }
0x6d: {  	_ =	shalt  }
0x6e: {  	_ =	shalt  }
0x6f: {  	_ =	shalt  }
0x70: {  	_ =	shalt  }
0x71: {  	_ =	shalt  }
0x72: {  	_ =	shalt  }
0x73: {  	_ =	shalt  }
0x74: {  	_ =	shalt  }
0x75: {  	_ =	shalt  }
0x76: {  	_ =	shalt  }
0x77: {  	_ =	shalt  }
0x78: {  	_ =	shalt  }
0x79: {  	_ =	shalt  }
0x7a: {  	_ =	shalt  }
0x7b: {  	_ =	shalt  }
0x7c: {  	_ =	shalt  }
0x7d: {  	_ =	shalt  }
0x7e: {  	_ =	shalt  }
0x7f: {  	_ =	shalt  }
0x80: {  	_ =	shalt  }
0x81: {  	_ =	shalt  }
0x82: {  	_ =	shalt  }
0x83: {  	_ =	shalt  }
0x84: {  	_ =	shalt  }
0x85: {  	_ =	shalt  }
0x86: {  	_ =	shalt  }
0x87: {  	_ =	shalt  }
.Lfunc_end0:
.L_simem_size_0:
called_computation_lowered:
.L_overlay_start_0:
0x88: {  	s2 =	sld [smem:$0x3FD9]  }
0x89: {  	s3 =	sld [smem:$0x3FFE];
	_ =	sdelay $0x1  }
0x8a: {  	s1 =	srdreg.scid  }
0x8b: {  	s0 =	sand.u32 $0x1, s1  }
0x8c: {  	s18 =	sshll.u32 s0, $0xA;
	s2 =	sadd.s32 s3, s2  }
0x8d: {  	s2 =	sadd.s32 s2, s18  }
0x8e: {  	[smem:$0x3FC7] =	sst s2  }
0x8f: {  	_ = 	snop  }
0x90: {  	s2 =	sld [smem:$0x3FC9]  }
0x91: {  	s19 =	sld [smem:$0x3FD0];
	(tm) =	ssettm $0x1  }
0x92: {  	s4 =	sld [smem:$0x3FFB];
	_ =	sdelay $0x3  }
0x93: {  	_ =	strace s4  }
0x94: {  	s4 =	sld [smem:$0x3FFC];
	_ =	sdelay $0x3  }
0x95: {  	_ =	strace s4  }
0x96: {  	s4 =	sld [smem:$0x3FFD];
	_ =	sdelay $0x3  }
0x97: {  	_ =	strace s4  }
0x98: {  	_ =	strace $0x8FFFFFFF  }
0x99: {  	s20 =	sld [smem:$0x3FDB];
	_ =	sdelay $0x1  }
0x9a: {  	s5 =	simm.s32 $_scs_section_size  }
0x9b: {  	s6 =	simm.s32 $_size__tile_overlayer_lowered;
	s7 =	simm.s32 $_tile_overlayer_lowered  }
0x9c: {  	s23 =	simm.s32 $0x1BFF;
	s22 =	sshll.u32 s7, $0x1;
	s4 =	sadd.s32 s5, s20  }
0x9d: {  	s8 =	simm.s32 $0x0;
	s21 =	sshll.u32 s6, $0x1;
	s6 =	sadd.s32 s22, s4  }
0x9e: {  	[timem:s8], [sflag:s23] =	dma.local [hbm:s6], s21  }
0x9f: {  	_ =	swait.ge [sflag:s23], s21  }
0xa0: {  	s5 =	ssub.s32 $0x0, s21;
	[sflag:s23] =	ssyncset.done $0x0  }
0xa1: {  	[sflag:s23] =	ssyncadd.s32 s5;
	_ =	sdelay $0x1  }
0xa2: {  	s24 =	simm.s32 $0x1B8B  }
0xa3: {  	_ =	swait.ge [sflag:s24], $0x1  }
0xa4: {  	[sflag:s24] =	ssyncset.done $0x0  }
0xa5: {  	s25 =	simm.s32 $0x1B8E;
	[sflag:s24] =	ssyncadd.s32 $0xFFFFFFFF  }
0xa6: {  	s26 =	simm.s32 $execute0_lowered;
	[smem:$0x3FD2] =	sst s25  }
0xa7: {  	s5 =	sshll.u32 s26, $0x1;
	_ =	strace $0x80000046;
	[dreg:$0x1] =	wrdreg $0xFFFFFFFF  }
0xa8: {  	s28 =	simm.s32 $_size_execute0_lowered;
	s4 =	sadd.s32 s4, s5;
	[dreg:$0x0] =	wrdreg $0x0  }
0xa9: {  	s5 =	sshll.u32 s28, $0x1;
	[dreg:$0x2] =	wrdreg s4  }
0xaa: {  	[dreg:$0x3] =	wrdreg s5  }
0xab: {  	[dreg:$0x4] =	wrdreg $0xC0  }
0xac: {  	_ =	task [dreg:s8], $0x5FFFF  }
0xad: {  	[dreg:$0x1] =	wrdreg $0xFFFFFFFF  }
0xae: {  	[dreg:$0x0] =	wrdreg $0x60  }
0xaf: {  	[dreg:$0x2] =	wrdreg s2  }
0xb0: {  	[dreg:$0x3] =	wrdreg s19  }
0xb1: {  	[dreg:$0x4] =	wrdreg $0x9  }
0xb2: {  	_ =	task.clear_ibuf [dreg:s8], $0x5FFFF;
	_ =	strace $0x90000046  }
0xb3: {  	s29 =	simm.s32 $0x9;
	_ =	strace $0x80000048  }
0xb4: {  	_ =	swait.ge [sflag:s29], $0x1  }
0xb5: {  	[sflag:s29] =	ssyncadd.s32 $0xFFFFFFFF  }
0xb6: {  	_ =	strace $0x90000048  }
0xb7: {  	_ =	sfence  }
0xb8: {  	s30 =	sld [smem:$0x0];
	_ =	sdelay $0x2  }
0xb9: {  	s31 =	sshll.u32 s1, $0xD;
	s1 =	sshrl.u32 s1, $0x2  }
0xba: {  	s3 =	sand.u32 $0x4000, s31;
	s1 =	sadd.s32 s1, s30  }
0xbb: {  	s0 =	sor.u32 s3, s0;
	s1 =	sshll.u32 s1, $0x11  }
0xbc: {  	s0 =	sor.u32 s1, s0  }
0xbd: {  	s0 =	sadd.s32 $0x8F2B, s0  }
0xbe: {  	[sflag:s0] =	ssyncadd.remote.s32 $0x1  }
0xbf: {  	_ =	sfence.sel $0xFFFF  }
0xc0: {  	[dreg:$0x0] =	wrdreg $0xFFFFFFFF;
	(pc) =	sbr.abs _section_cstart, $3  }
0xc1: {  	[dreg:$0x1] =	wrdreg $0xFFFFFFFF  }
0xc2: {  	_ =	task.clear_ibuf [dreg:s8], $0x2FFFF;
	_ =	strace $0x9FFFFFFF  }
0xc3: {  	(tm) =	ssettm $0x7FFFFFFF  }
tec
execute0_lowered:
.L_overlay_start_1:
0x0: {  	(tag) =	ssettag $0x1  }
0x1: {  	s1 =	rddreg [dreg:$0x0]  }
0x2: {  	s3 =	rddreg [dreg:$0x1];
	s0 =	srdreg.scid;
	s4 =	simm.s32 $0x0  }
0x3: {  	s2 =	stileid.u32;
	s13 =	simm.s32 $0x4000;
	s14 =	simm.s32 $0x8000  }
0x4: {  	s15 =	simm.s32 $0x1;
	s16 =	simm.s32 $0xC000;
	s17 =	simm.s32 $0x2  }
0x5: {  	s18 =	simm.s32 $0x3;
	s19 =	simm.s32 $0x4;
	s20 =	simm.s32 $0x5  }
0x6: {  	s21 =	simm.s32 $0x6;
	s22 =	simm.s32 $0x7;
	s23 =	simm.s32 $0x8  }
0x7: {  	s24 =	simm.s32 $0x0;
	s0 =	sand.u32 $0x1, s0;
	[smem:$0x7FF] =	sst s4  }
0x8: {  	s2 =	sshll.u32 s2, $0x8;
	s5 =	sshll.u32 s0, $0x7;
	s0 =	ssub.s32 $0x2, s0  }
0x9: {  	_ =	strace $0x80000047;
	s2 =	sor.u32 s5, s2;
	s30 =	sshrl.u32 s0, $0x1  }
0xa: {  	s7 =	sor.u32 $0x3000, s2;
	s2 =	sshll.u32 s2, $0x8;
	s0 =	ssub.s32 s0, s30  }
0xb: {  	s31 =	sshll.u32 s7, $0x8;
	s6 =	sadd.s32 s2, s1;
	s7 =	sshrl.u32 s7, $0x3  }
0xc: {  	s2 =	sadd.s32 s2, s3;
	s11 =	smax.u32 s0, $0x1;
	s8 =	sadd.s32 s1, s31  }
0xd: {  	s6 =	sadd.s32 $0x300800, s6;
	s9 =	sor.u32 $0x4, s7;
	s10 =	sor.u32 $0x5, s7  }
0xe: {  	s12 =	sadd.s32 $0x300800, s2;
	[dreg:$0x3] =	wrdreg s8;
	s8 =	sadd.s32 s3, s31  }
.LBB2_1:
0xf: {  	s0 =	rddreg [dreg:$0x3]  }
0x10: {  	[tilespmem:s4], [sflag:$0x1] =	stream.linear.gather [hbm4b:s0+s4], $0x4000, $0x38;
	[tilespmem:$0x10000] =	vst v63  }
0x11: {  	s25 =	simm.s32 $0x0  }
0x12: {  	[tilespmem:s13], [sflag:$0x2] =	stream.linear.gather [hbm4b:s6+s4], $0x4000, $0x38;
	[tilespmem:$0x10000] =	vst v63  }
.LBB2_2:
0x13: {  	s26 =	sshll.u32 s25, $0x2  }
0x14: {  	p0 =	seq.s32 s25, $0x0;
	s0 =	sor.u32 $0x2, s26  }
0x15: {  	s2 =	simm.s32 @!p0 $0x7;
	s0 =	sadd.s32 s7, s0  }
0x16: {  	_ =	swait.ge @!p0 [sflag:s2], $0x4000;
	s0 =	sshll.u32 s0, $0xB  }
0x17: {  	[sflag:s2] =	ssyncset.done @!p0 $0x0;
	s29 =	sand.u32 $0x1FFFF000, s0  }
0x18: {  	[sflag:s2] =	ssyncadd.s32 @!p0 $0xFFFFC000;
	s0 =	sadd.s32 s1, s29  }
0x19: {  	[tilespmem:s14], [sflag:$0x3] =	stream.linear.gather [hbm4b:s0+s4], $0x4000, $0x38;
	[tilespmem:$0x10000] =	vst v63  }
0x1a: {  	_ =	swait.ge [sflag:s15], $0x4000  }
0x1b: {  	[sflag:s15] =	ssyncset.done $0x0  }
0x1c: {  	s0 =	simm.s32 $0x40;
	[sflag:s15] =	ssyncadd.s32 $0xFFFFC000  }
0x1d: {  	v3 =	vld [tilespmem:s0+$0x30]  }
0x1e: {  	v4 =	vld [tilespmem:s0+$0xFFFFFFD0]  }
0x1f: {  	v5 =	vld [tilespmem:s0+$0xFFFFFFE0]  }
0x20: {  	v2 =	vld [tilespmem:s0+$0xFFFFFFF0]  }
0x21: {  	v1 =	vld [tilespmem:s0+$0x0]  }
0x22: {  	v0 =	vld [tilespmem:s0+$0x10];
	v6 =	vmax.f32 v3, $0.0e+00  }
0x23: {  	v7 =	vmax.f32 v4, $0.0e+00;
	v3 =	vld [tilespmem:s0+$0x20];
	[tilespmem:s0+$0x30] =	vst v6  }
0x24: {  	s30 =	simm.s32 $0x0;
	s28 =	simm.s32 $0xF0;
	s2 =	simm.s32 $0x440;
	v4 =	vld [tilespmem:s0+$0xFFFFFFC0];
	v5 =	vmax.f32 v5, $0.0e+00;
	[tilespmem:s0+$0xFFFFFFD0] =	vst v7  }
.LBB2_3:
0x25: {  	v6 =	vld [tilespmem:s2+$0x30];
	s30 =	sadd.s32 $0x8, s30;
	[tilespmem:s0+$0xFFFFFFE0] =	vst v5;
	v2 =	vmax.f32 v2, $0.0e+00  }
0x26: {  	v5 =	vld [tilespmem:s2+$0xFFFFFFD0];
	p1 =	slt.u32 s30, $0x78;
	[tilespmem:s0+$0xFFFFFFF0] =	vst v2;
	v1 =	vmax.f32 v1, $0.0e+00  }
0x27: {  	v7 =	vld [tilespmem:s2+$0xFFFFFFE0];
	[tilespmem:s0+$0x0] =	vst v1;
	v0 =	vmax.f32 v0, $0.0e+00  }
.Ltmp0:
0x28: {  	v2 =	vld [tilespmem:s2+$0xFFFFFFF0];
	[tilespmem:s0+$0x10] =	vst v0;
	v0 =	vmax.f32 v3, $0.0e+00;
	(pc) =	sbr.rel @p1 .LBB2_3-.Ltmp0, $4  }
0x29: {  	v1 =	vld [tilespmem:s2+$0x0];
	v3 =	vmax.f32 v4, $0.0e+00;
	[tilespmem:s0+$0x20] =	vst v0  }
0x2a: {  	v0 =	vld [tilespmem:s2+$0x10];
	v4 =	vmax.f32 v6, $0.0e+00;
	[tilespmem:s0+$0xFFFFFFC0] =	vst v3;
	s0 =	smov.u32 s2  }
0x2b: {  	v5 =	vmax.f32 v5, $0.0e+00;
	v3 =	vld [tilespmem:s2+$0x20];
	[tilespmem:s2+$0x30] =	vst v4  }
0x2c: {  	s2 =	sadd.s32 $0x400, s2;
	v4 =	vld [tilespmem:s0+$0xFFFFFFC0];
	[tilespmem:s0+$0xFFFFFFD0] =	vst v5;
	v5 =	vmax.f32 v7, $0.0e+00  }
0x2d: {  	[tilespmem:s0+$0xFFFFFFE0] =	vst v5;
	v2 =	vmax.f32 v2, $0.0e+00  }
0x2e: {  	[tilespmem:s0+$0xFFFFFFF0] =	vst v2;
	v1 =	vmax.f32 v1, $0.0e+00  }
0x2f: {  	[tilespmem:s0+$0x0] =	vst v1;
	v0 =	vmax.f32 v0, $0.0e+00  }
0x30: {  	[tilespmem:s0+$0x10] =	vst v0;
	v0 =	vmax.f32 v3, $0.0e+00  }
0x31: {  	v1 =	vmax.f32 v4, $0.0e+00;
	[tilespmem:s0+$0x20] =	vst v0  }
0x32: {  	[tilespmem:s0+$0xFFFFFFC0] =	vst v1  }
0x33: {  	v3 =	vld [tilespmem:s28+$0x0]  }
0x34: {  	v4 =	vld [tilespmem:s28+$0xFFFFFFA0]  }
0x35: {  	v5 =	vld [tilespmem:s28+$0xFFFFFFB0]  }
0x36: {  	v2 =	vld [tilespmem:s28+$0xFFFFFFC0]  }
0x37: {  	v1 =	vld [tilespmem:s28+$0xFFFFFFD0]  }
0x38: {  	v0 =	vld [tilespmem:s28+$0xFFFFFFE0];
	v6 =	vmax.f32 v3, $0.0e+00  }
0x39: {  	v7 =	vmax.f32 v4, $0.0e+00;
	v3 =	vld [tilespmem:s28+$0xFFFFFFF0];
	[tilespmem:s28+$0x0] =	vst v6  }
0x3a: {  	s30 =	simm.s32 $0x170;
	s2 =	simm.s32 $0x4F0;
	s0 =	simm.s32 $0x0;
	v4 =	vld [tilespmem:s28+$0xFFFFFF90];
	v5 =	vmax.f32 v5, $0.0e+00;
	[tilespmem:s28+$0xFFFFFFA0] =	vst v7  }
.LBB2_5:
0x3b: {  	v6 =	vld [tilespmem:s2+$0x0];
	s0 =	sadd.s32 $0x8, s0;
	[tilespmem:s28+$0xFFFFFFB0] =	vst v5;
	v2 =	vmax.f32 v2, $0.0e+00  }
0x3c: {  	v5 =	vld [tilespmem:s2+$0xFFFFFFA0];
	p1 =	slt.u32 s0, $0x78;
	[tilespmem:s28+$0xFFFFFFC0] =	vst v2;
	v1 =	vmax.f32 v1, $0.0e+00  }
0x3d: {  	v7 =	vld [tilespmem:s2+$0xFFFFFFB0];
	[tilespmem:s28+$0xFFFFFFD0] =	vst v1;
	v0 =	vmax.f32 v0, $0.0e+00  }
.Ltmp1:
0x3e: {  	v2 =	vld [tilespmem:s2+$0xFFFFFFC0];
	[tilespmem:s28+$0xFFFFFFE0] =	vst v0;
	v0 =	vmax.f32 v3, $0.0e+00;
	(pc) =	sbr.rel @p1 .LBB2_5-.Ltmp1, $4  }
0x3f: {  	v1 =	vld [tilespmem:s2+$0xFFFFFFD0];
	v3 =	vmax.f32 v4, $0.0e+00;
	[tilespmem:s28+$0xFFFFFFF0] =	vst v0  }
0x40: {  	v0 =	vld [tilespmem:s2+$0xFFFFFFE0];
	v4 =	vmax.f32 v6, $0.0e+00;
	[tilespmem:s28+$0xFFFFFF90] =	vst v3;
	s28 =	smov.u32 s2  }
0x41: {  	v5 =	vmax.f32 v5, $0.0e+00;
	v3 =	vld [tilespmem:s2+$0xFFFFFFF0];
	[tilespmem:s2+$0x0] =	vst v4  }
0x42: {  	s2 =	sadd.s32 $0x400, s2;
	v4 =	vld [tilespmem:s28+$0xFFFFFF90];
	[tilespmem:s28+$0xFFFFFFA0] =	vst v5;
	v5 =	vmax.f32 v7, $0.0e+00  }
0x43: {  	[tilespmem:s28+$0xFFFFFFB0] =	vst v5;
	v2 =	vmax.f32 v2, $0.0e+00  }
0x44: {  	[tilespmem:s28+$0xFFFFFFC0] =	vst v2;
	v1 =	vmax.f32 v1, $0.0e+00  }
0x45: {  	[tilespmem:s28+$0xFFFFFFD0] =	vst v1;
	v0 =	vmax.f32 v0, $0.0e+00  }
0x46: {  	[tilespmem:s28+$0xFFFFFFE0] =	vst v0;
	v0 =	vmax.f32 v3, $0.0e+00  }
0x47: {  	v1 =	vmax.f32 v4, $0.0e+00;
	[tilespmem:s28+$0xFFFFFFF0] =	vst v0  }
0x48: {  	[tilespmem:s28+$0xFFFFFF90] =	vst v1  }
0x49: {  	v3 =	vld [tilespmem:s30+$0x0]  }
0x4a: {  	v4 =	vld [tilespmem:s30+$0xFFFFFFA0]  }
0x4b: {  	v5 =	vld [tilespmem:s30+$0xFFFFFFB0]  }
0x4c: {  	v2 =	vld [tilespmem:s30+$0xFFFFFFC0]  }
0x4d: {  	v1 =	vld [tilespmem:s30+$0xFFFFFFD0]  }
0x4e: {  	v0 =	vld [tilespmem:s30+$0xFFFFFFE0];
	v6 =	vmax.f32 v3, $0.0e+00  }
0x4f: {  	v7 =	vmax.f32 v4, $0.0e+00;
	v3 =	vld [tilespmem:s30+$0xFFFFFFF0];
	[tilespmem:s30+$0x0] =	vst v6  }
0x50: {  	s0 =	simm.s32 $0x0;
	s2 =	simm.s32 $0x570;
	s28 =	simm.s32 $0x1F0;
	v4 =	vld [tilespmem:s30+$0xFFFFFF90];
	v5 =	vmax.f32 v5, $0.0e+00;
	[tilespmem:s30+$0xFFFFFFA0] =	vst v7  }
.LBB2_7:
0x51: {  	v6 =	vld [tilespmem:s2+$0x0];
	s0 =	sadd.s32 $0x8, s0;
	[tilespmem:s30+$0xFFFFFFB0] =	vst v5;
	v2 =	vmax.f32 v2, $0.0e+00  }
0x52: {  	v5 =	vld [tilespmem:s2+$0xFFFFFFA0];
	p1 =	slt.u32 s0, $0x78;
	[tilespmem:s30+$0xFFFFFFC0] =	vst v2;
	v1 =	vmax.f32 v1, $0.0e+00  }
0x53: {  	v7 =	vld [tilespmem:s2+$0xFFFFFFB0];
	[tilespmem:s30+$0xFFFFFFD0] =	vst v1;
	v0 =	vmax.f32 v0, $0.0e+00  }
.Ltmp2:
0x54: {  	v2 =	vld [tilespmem:s2+$0xFFFFFFC0];
	[tilespmem:s30+$0xFFFFFFE0] =	vst v0;
	v0 =	vmax.f32 v3, $0.0e+00;
	(pc) =	sbr.rel @p1 .LBB2_7-.Ltmp2, $4  }
0x55: {  	v1 =	vld [tilespmem:s2+$0xFFFFFFD0];
	v3 =	vmax.f32 v4, $0.0e+00;
	[tilespmem:s30+$0xFFFFFFF0] =	vst v0  }
0x56: {  	v0 =	vld [tilespmem:s2+$0xFFFFFFE0];
	v4 =	vmax.f32 v6, $0.0e+00;
	[tilespmem:s30+$0xFFFFFF90] =	vst v3;
	s30 =	smov.u32 s2  }
0x57: {  	v5 =	vmax.f32 v5, $0.0e+00;
	v3 =	vld [tilespmem:s2+$0xFFFFFFF0];
	[tilespmem:s2+$0x0] =	vst v4  }
0x58: {  	s2 =	sadd.s32 $0x400, s2;
	v4 =	vld [tilespmem:s30+$0xFFFFFF90];
	[tilespmem:s30+$0xFFFFFFA0] =	vst v5;
	v5 =	vmax.f32 v7, $0.0e+00  }
0x59: {  	[tilespmem:s30+$0xFFFFFFB0] =	vst v5;
	v2 =	vmax.f32 v2, $0.0e+00  }
0x5a: {  	[tilespmem:s30+$0xFFFFFFC0] =	vst v2;
	v1 =	vmax.f32 v1, $0.0e+00  }
0x5b: {  	[tilespmem:s30+$0xFFFFFFD0] =	vst v1;
	v0 =	vmax.f32 v0, $0.0e+00  }
0x5c: {  	[tilespmem:s30+$0xFFFFFFE0] =	vst v0;
	v0 =	vmax.f32 v3, $0.0e+00  }
0x5d: {  	v1 =	vmax.f32 v4, $0.0e+00;
	[tilespmem:s30+$0xFFFFFFF0] =	vst v0  }
0x5e: {  	[tilespmem:s30+$0xFFFFFF90] =	vst v1  }
0x5f: {  	v3 =	vld [tilespmem:s28+$0x0]  }
0x60: {  	v4 =	vld [tilespmem:s28+$0xFFFFFFA0]  }
0x61: {  	v5 =	vld [tilespmem:s28+$0xFFFFFFB0]  }
0x62: {  	v2 =	vld [tilespmem:s28+$0xFFFFFFC0]  }
0x63: {  	v1 =	vld [tilespmem:s28+$0xFFFFFFD0]  }
0x64: {  	v0 =	vld [tilespmem:s28+$0xFFFFFFE0];
	v6 =	vmax.f32 v3, $0.0e+00  }
0x65: {  	v7 =	vmax.f32 v4, $0.0e+00;
	v3 =	vld [tilespmem:s28+$0xFFFFFFF0];
	[tilespmem:s28+$0x0] =	vst v6  }
0x66: {  	s0 =	simm.s32 $0x0;
	s2 =	simm.s32 $0x5F0;
	s30 =	simm.s32 $0x270;
	v4 =	vld [tilespmem:s28+$0xFFFFFF90];
	v5 =	vmax.f32 v5, $0.0e+00;
	[tilespmem:s28+$0xFFFFFFA0] =	vst v7  }
.LBB2_9:
0x67: {  	v6 =	vld [tilespmem:s2+$0x0];
	s0 =	sadd.s32 $0x8, s0;
	[tilespmem:s28+$0xFFFFFFB0] =	vst v5;
	v2 =	vmax.f32 v2, $0.0e+00  }
0x68: {  	v5 =	vld [tilespmem:s2+$0xFFFFFFA0];
	p1 =	slt.u32 s0, $0x78;
	[tilespmem:s28+$0xFFFFFFC0] =	vst v2;
	v1 =	vmax.f32 v1, $0.0e+00  }
0x69: {  	v7 =	vld [tilespmem:s2+$0xFFFFFFB0];
	[tilespmem:s28+$0xFFFFFFD0] =	vst v1;
	v0 =	vmax.f32 v0, $0.0e+00  }
.Ltmp3:
0x6a: {  	v2 =	vld [tilespmem:s2+$0xFFFFFFC0];
	[tilespmem:s28+$0xFFFFFFE0] =	vst v0;
	v0 =	vmax.f32 v3, $0.0e+00;
	(pc) =	sbr.rel @p1 .LBB2_9-.Ltmp3, $4  }
0x6b: {  	v1 =	vld [tilespmem:s2+$0xFFFFFFD0];
	v3 =	vmax.f32 v4, $0.0e+00;
	[tilespmem:s28+$0xFFFFFFF0] =	vst v0  }
0x6c: {  	v0 =	vld [tilespmem:s2+$0xFFFFFFE0];
	v4 =	vmax.f32 v6, $0.0e+00;
	[tilespmem:s28+$0xFFFFFF90] =	vst v3;
	s28 =	smov.u32 s2  }
0x6d: {  	v5 =	vmax.f32 v5, $0.0e+00;
	v3 =	vld [tilespmem:s2+$0xFFFFFFF0];
	[tilespmem:s2+$0x0] =	vst v4  }
0x6e: {  	s2 =	sadd.s32 $0x400, s2;
	v4 =	vld [tilespmem:s28+$0xFFFFFF90];
	[tilespmem:s28+$0xFFFFFFA0] =	vst v5;
	v5 =	vmax.f32 v7, $0.0e+00  }
0x6f: {  	[tilespmem:s28+$0xFFFFFFB0] =	vst v5;
	v2 =	vmax.f32 v2, $0.0e+00  }
0x70: {  	[tilespmem:s28+$0xFFFFFFC0] =	vst v2;
	v1 =	vmax.f32 v1, $0.0e+00  }
0x71: {  	[tilespmem:s28+$0xFFFFFFD0] =	vst v1;
	v0 =	vmax.f32 v0, $0.0e+00  }
0x72: {  	[tilespmem:s28+$0xFFFFFFE0] =	vst v0;
	v0 =	vmax.f32 v3, $0.0e+00  }
0x73: {  	v1 =	vmax.f32 v4, $0.0e+00;
	[tilespmem:s28+$0xFFFFFFF0] =	vst v0  }
0x74: {  	[tilespmem:s28+$0xFFFFFF90] =	vst v1  }
0x75: {  	v3 =	vld [tilespmem:s30+$0x0]  }
0x76: {  	v4 =	vld [tilespmem:s30+$0xFFFFFFA0]  }
0x77: {  	v5 =	vld [tilespmem:s30+$0xFFFFFFB0]  }
0x78: {  	v2 =	vld [tilespmem:s30+$0xFFFFFFC0]  }
0x79: {  	v1 =	vld [tilespmem:s30+$0xFFFFFFD0]  }
0x7a: {  	v0 =	vld [tilespmem:s30+$0xFFFFFFE0];
	v6 =	vmax.f32 v3, $0.0e+00  }
0x7b: {  	v7 =	vmax.f32 v4, $0.0e+00;
	v3 =	vld [tilespmem:s30+$0xFFFFFFF0];
	[tilespmem:s30+$0x0] =	vst v6  }
0x7c: {  	s0 =	simm.s32 $0x0;
	s2 =	simm.s32 $0x670;
	s28 =	simm.s32 $0x2F0;
	v4 =	vld [tilespmem:s30+$0xFFFFFF90];
	v5 =	vmax.f32 v5, $0.0e+00;
	[tilespmem:s30+$0xFFFFFFA0] =	vst v7  }
.LBB2_11:
0x7d: {  	v6 =	vld [tilespmem:s2+$0x0];
	s0 =	sadd.s32 $0x8, s0;
	[tilespmem:s30+$0xFFFFFFB0] =	vst v5;
	v2 =	vmax.f32 v2, $0.0e+00  }
0x7e: {  	v5 =	vld [tilespmem:s2+$0xFFFFFFA0];
	p1 =	slt.u32 s0, $0x78;
	[tilespmem:s30+$0xFFFFFFC0] =	vst v2;
	v1 =	vmax.f32 v1, $0.0e+00  }
0x7f: {  	v7 =	vld [tilespmem:s2+$0xFFFFFFB0];
	[tilespmem:s30+$0xFFFFFFD0] =	vst v1;
	v0 =	vmax.f32 v0, $0.0e+00  }
.Ltmp4:
0x80: {  	v2 =	vld [tilespmem:s2+$0xFFFFFFC0];
	[tilespmem:s30+$0xFFFFFFE0] =	vst v0;
	v0 =	vmax.f32 v3, $0.0e+00;
	(pc) =	sbr.rel @p1 .LBB2_11-.Ltmp4, $4  }
0x81: {  	v1 =	vld [tilespmem:s2+$0xFFFFFFD0];
	v3 =	vmax.f32 v4, $0.0e+00;
	[tilespmem:s30+$0xFFFFFFF0] =	vst v0  }
0x82: {  	v0 =	vld [tilespmem:s2+$0xFFFFFFE0];
	v4 =	vmax.f32 v6, $0.0e+00;
	[tilespmem:s30+$0xFFFFFF90] =	vst v3;
	s30 =	smov.u32 s2  }
0x83: {  	v5 =	vmax.f32 v5, $0.0e+00;
	v3 =	vld [tilespmem:s2+$0xFFFFFFF0];
	[tilespmem:s2+$0x0] =	vst v4  }
0x84: {  	s2 =	sadd.s32 $0x400, s2;
	v4 =	vld [tilespmem:s30+$0xFFFFFF90];
	[tilespmem:s30+$0xFFFFFFA0] =	vst v5;
	v5 =	vmax.f32 v7, $0.0e+00  }
0x85: {  	[tilespmem:s30+$0xFFFFFFB0] =	vst v5;
	v2 =	vmax.f32 v2, $0.0e+00  }
0x86: {  	[tilespmem:s30+$0xFFFFFFC0] =	vst v2;
	v1 =	vmax.f32 v1, $0.0e+00  }
0x87: {  	[tilespmem:s30+$0xFFFFFFD0] =	vst v1;
	v0 =	vmax.f32 v0, $0.0e+00  }
0x88: {  	[tilespmem:s30+$0xFFFFFFE0] =	vst v0;
	v0 =	vmax.f32 v3, $0.0e+00  }
0x89: {  	v1 =	vmax.f32 v4, $0.0e+00;
	[tilespmem:s30+$0xFFFFFFF0] =	vst v0  }
0x8a: {  	[tilespmem:s30+$0xFFFFFF90] =	vst v1  }
0x8b: {  	v3 =	vld [tilespmem:s28+$0x0]  }
0x8c: {  	v4 =	vld [tilespmem:s28+$0xFFFFFFA0]  }
0x8d: {  	v5 =	vld [tilespmem:s28+$0xFFFFFFB0]  }
0x8e: {  	v2 =	vld [tilespmem:s28+$0xFFFFFFC0]  }
0x8f: {  	v1 =	vld [tilespmem:s28+$0xFFFFFFD0]  }
0x90: {  	v0 =	vld [tilespmem:s28+$0xFFFFFFE0];
	v6 =	vmax.f32 v3, $0.0e+00  }
0x91: {  	v7 =	vmax.f32 v4, $0.0e+00;
	v3 =	vld [tilespmem:s28+$0xFFFFFFF0];
	[tilespmem:s28+$0x0] =	vst v6  }
0x92: {  	s0 =	simm.s32 $0x0;
	s2 =	simm.s32 $0x6F0;
	s30 =	simm.s32 $0x370;
	v4 =	vld [tilespmem:s28+$0xFFFFFF90];
	v5 =	vmax.f32 v5, $0.0e+00;
	[tilespmem:s28+$0xFFFFFFA0] =	vst v7  }
.LBB2_13:
0x93: {  	v6 =	vld [tilespmem:s2+$0x0];
	s0 =	sadd.s32 $0x8, s0;
	[tilespmem:s28+$0xFFFFFFB0] =	vst v5;
	v2 =	vmax.f32 v2, $0.0e+00  }
0x94: {  	v5 =	vld [tilespmem:s2+$0xFFFFFFA0];
	p1 =	slt.u32 s0, $0x78;
	[tilespmem:s28+$0xFFFFFFC0] =	vst v2;
	v1 =	vmax.f32 v1, $0.0e+00  }
0x95: {  	v7 =	vld [tilespmem:s2+$0xFFFFFFB0];
	[tilespmem:s28+$0xFFFFFFD0] =	vst v1;
	v0 =	vmax.f32 v0, $0.0e+00  }
.Ltmp5:
0x96: {  	v2 =	vld [tilespmem:s2+$0xFFFFFFC0];
	[tilespmem:s28+$0xFFFFFFE0] =	vst v0;
	v0 =	vmax.f32 v3, $0.0e+00;
	(pc) =	sbr.rel @p1 .LBB2_13-.Ltmp5, $4  }
0x97: {  	v1 =	vld [tilespmem:s2+$0xFFFFFFD0];
	v3 =	vmax.f32 v4, $0.0e+00;
	[tilespmem:s28+$0xFFFFFFF0] =	vst v0  }
0x98: {  	v0 =	vld [tilespmem:s2+$0xFFFFFFE0];
	v4 =	vmax.f32 v6, $0.0e+00;
	[tilespmem:s28+$0xFFFFFF90] =	vst v3;
	s28 =	smov.u32 s2  }
0x99: {  	v5 =	vmax.f32 v5, $0.0e+00;
	v3 =	vld [tilespmem:s2+$0xFFFFFFF0];
	[tilespmem:s2+$0x0] =	vst v4  }
0x9a: {  	s2 =	sadd.s32 $0x400, s2;
	v4 =	vld [tilespmem:s28+$0xFFFFFF90];
	[tilespmem:s28+$0xFFFFFFA0] =	vst v5;
	v5 =	vmax.f32 v7, $0.0e+00  }
0x9b: {  	[tilespmem:s28+$0xFFFFFFB0] =	vst v5;
	v2 =	vmax.f32 v2, $0.0e+00  }
0x9c: {  	[tilespmem:s28+$0xFFFFFFC0] =	vst v2;
	v1 =	vmax.f32 v1, $0.0e+00  }
0x9d: {  	[tilespmem:s28+$0xFFFFFFD0] =	vst v1;
	v0 =	vmax.f32 v0, $0.0e+00  }
0x9e: {  	[tilespmem:s28+$0xFFFFFFE0] =	vst v0;
	v0 =	vmax.f32 v3, $0.0e+00  }
0x9f: {  	v1 =	vmax.f32 v4, $0.0e+00;
	[tilespmem:s28+$0xFFFFFFF0] =	vst v0  }
0xa0: {  	[tilespmem:s28+$0xFFFFFF90] =	vst v1  }
0xa1: {  	v3 =	vld [tilespmem:s30+$0x0]  }
0xa2: {  	v4 =	vld [tilespmem:s30+$0xFFFFFFA0]  }
0xa3: {  	v5 =	vld [tilespmem:s30+$0xFFFFFFB0]  }
0xa4: {  	v2 =	vld [tilespmem:s30+$0xFFFFFFC0]  }
0xa5: {  	v1 =	vld [tilespmem:s30+$0xFFFFFFD0]  }
0xa6: {  	v0 =	vld [tilespmem:s30+$0xFFFFFFE0];
	v6 =	vmax.f32 v3, $0.0e+00  }
0xa7: {  	v7 =	vmax.f32 v4, $0.0e+00;
	v3 =	vld [tilespmem:s30+$0xFFFFFFF0];
	[tilespmem:s30+$0x0] =	vst v6  }
0xa8: {  	s0 =	simm.s32 $0x0;
	s2 =	simm.s32 $0x770;
	s28 =	simm.s32 $0x3F0;
	v4 =	vld [tilespmem:s30+$0xFFFFFF90];
	v5 =	vmax.f32 v5, $0.0e+00;
	[tilespmem:s30+$0xFFFFFFA0] =	vst v7  }
.LBB2_15:
0xa9: {  	v6 =	vld [tilespmem:s2+$0x0];
	s0 =	sadd.s32 $0x8, s0;
	[tilespmem:s30+$0xFFFFFFB0] =	vst v5;
	v2 =	vmax.f32 v2, $0.0e+00  }
0xaa: {  	v5 =	vld [tilespmem:s2+$0xFFFFFFA0];
	p1 =	slt.u32 s0, $0x78;
	[tilespmem:s30+$0xFFFFFFC0] =	vst v2;
	v1 =	vmax.f32 v1, $0.0e+00  }
0xab: {  	v7 =	vld [tilespmem:s2+$0xFFFFFFB0];
	[tilespmem:s30+$0xFFFFFFD0] =	vst v1;
	v0 =	vmax.f32 v0, $0.0e+00  }
.Ltmp6:
0xac: {  	v2 =	vld [tilespmem:s2+$0xFFFFFFC0];
	[tilespmem:s30+$0xFFFFFFE0] =	vst v0;
	v0 =	vmax.f32 v3, $0.0e+00;
	(pc) =	sbr.rel @p1 .LBB2_15-.Ltmp6, $4  }
0xad: {  	v1 =	vld [tilespmem:s2+$0xFFFFFFD0];
	v3 =	vmax.f32 v4, $0.0e+00;
	[tilespmem:s30+$0xFFFFFFF0] =	vst v0  }
0xae: {  	v0 =	vld [tilespmem:s2+$0xFFFFFFE0];
	v4 =	vmax.f32 v6, $0.0e+00;
	[tilespmem:s30+$0xFFFFFF90] =	vst v3;
	s30 =	smov.u32 s2  }
0xaf: {  	v5 =	vmax.f32 v5, $0.0e+00;
	v3 =	vld [tilespmem:s2+$0xFFFFFFF0];
	[tilespmem:s2+$0x0] =	vst v4  }
0xb0: {  	s2 =	sadd.s32 $0x400, s2;
	v4 =	vld [tilespmem:s30+$0xFFFFFF90];
	[tilespmem:s30+$0xFFFFFFA0] =	vst v5;
	v5 =	vmax.f32 v7, $0.0e+00  }
0xb1: {  	[tilespmem:s30+$0xFFFFFFB0] =	vst v5;
	v2 =	vmax.f32 v2, $0.0e+00  }
0xb2: {  	[tilespmem:s30+$0xFFFFFFC0] =	vst v2;
	v1 =	vmax.f32 v1, $0.0e+00  }
0xb3: {  	[tilespmem:s30+$0xFFFFFFD0] =	vst v1;
	v0 =	vmax.f32 v0, $0.0e+00  }
0xb4: {  	[tilespmem:s30+$0xFFFFFFE0] =	vst v0;
	v0 =	vmax.f32 v3, $0.0e+00  }
0xb5: {  	v1 =	vmax.f32 v4, $0.0e+00;
	[tilespmem:s30+$0xFFFFFFF0] =	vst v0  }
0xb6: {  	[tilespmem:s30+$0xFFFFFF90] =	vst v1  }
0xb7: {  	v3 =	vld [tilespmem:s28+$0x0]  }
0xb8: {  	v4 =	vld [tilespmem:s28+$0xFFFFFFA0]  }
0xb9: {  	v5 =	vld [tilespmem:s28+$0xFFFFFFB0]  }
0xba: {  	v2 =	vld [tilespmem:s28+$0xFFFFFFC0]  }
0xbb: {  	v1 =	vld [tilespmem:s28+$0xFFFFFFD0]  }
0xbc: {  	v0 =	vld [tilespmem:s28+$0xFFFFFFE0];
	v6 =	vmax.f32 v3, $0.0e+00  }
0xbd: {  	v7 =	vmax.f32 v4, $0.0e+00;
	v3 =	vld [tilespmem:s28+$0xFFFFFFF0];
	[tilespmem:s28+$0x0] =	vst v6  }
0xbe: {  	s0 =	simm.s32 $0x0;
	s2 =	simm.s32 $0x7F0;
	v4 =	vld [tilespmem:s28+$0xFFFFFF90];
	v5 =	vmax.f32 v5, $0.0e+00;
	[tilespmem:s28+$0xFFFFFFA0] =	vst v7  }
.LBB2_17:
0xbf: {  	v6 =	vld [tilespmem:s2+$0x0];
	s0 =	sadd.s32 $0x8, s0;
	[tilespmem:s28+$0xFFFFFFB0] =	vst v5;
	v2 =	vmax.f32 v2, $0.0e+00  }
0xc0: {  	v5 =	vld [tilespmem:s2+$0xFFFFFFA0];
	p1 =	slt.u32 s0, $0x78;
	[tilespmem:s28+$0xFFFFFFC0] =	vst v2;
	v1 =	vmax.f32 v1, $0.0e+00  }
0xc1: {  	v7 =	vld [tilespmem:s2+$0xFFFFFFB0];
	[tilespmem:s28+$0xFFFFFFD0] =	vst v1;
	v0 =	vmax.f32 v0, $0.0e+00  }
.Ltmp7:
0xc2: {  	v2 =	vld [tilespmem:s2+$0xFFFFFFC0];
	[tilespmem:s28+$0xFFFFFFE0] =	vst v0;
	v0 =	vmax.f32 v3, $0.0e+00;
	(pc) =	sbr.rel @p1 .LBB2_17-.Ltmp7, $4  }
0xc3: {  	v1 =	vld [tilespmem:s2+$0xFFFFFFD0];
	v3 =	vmax.f32 v4, $0.0e+00;
	[tilespmem:s28+$0xFFFFFFF0] =	vst v0  }
0xc4: {  	v0 =	vld [tilespmem:s2+$0xFFFFFFE0];
	v4 =	vmax.f32 v6, $0.0e+00;
	[tilespmem:s28+$0xFFFFFF90] =	vst v3;
	s28 =	smov.u32 s2  }
0xc5: {  	v5 =	vmax.f32 v5, $0.0e+00;
	v3 =	vld [tilespmem:s2+$0xFFFFFFF0];
	[tilespmem:s2+$0x0] =	vst v4  }
0xc6: {  	s2 =	sadd.s32 $0x400, s2;
	v4 =	vld [tilespmem:s28+$0xFFFFFF90];
	[tilespmem:s28+$0xFFFFFFA0] =	vst v5;
	v5 =	vmax.f32 v7, $0.0e+00  }
0xc7: {  	[tilespmem:s28+$0xFFFFFFB0] =	vst v5;
	v2 =	vmax.f32 v2, $0.0e+00  }
0xc8: {  	[tilespmem:s28+$0xFFFFFFC0] =	vst v2;
	v1 =	vmax.f32 v1, $0.0e+00  }
0xc9: {  	[tilespmem:s28+$0xFFFFFFD0] =	vst v1;
	v0 =	vmax.f32 v0, $0.0e+00  }
0xca: {  	[tilespmem:s28+$0xFFFFFFE0] =	vst v0;
	v0 =	vmax.f32 v3, $0.0e+00  }
0xcb: {  	s30 =	sshll.u32 s25, $0xD;
	v1 =	vmax.f32 v4, $0.0e+00;
	[tilespmem:s28+$0xFFFFFFF0] =	vst v0  }
0xcc: {  	s5 =	sor.u32 $0x3, s26;
	s2 =	simm.s32 @!p0 $0x8;
	s0 =	sadd.s32 s30, s8;
	[tilespmem:s28+$0xFFFFFF90] =	vst v1  }
0xcd: {  	[hbm4b:s0+s4] =	stream.linear.scatter [tilespmem:s4], [sflag:$0x5], $0x4000, $0x38;
	[tilespmem:$0x10000] =	vst v63  }
0xce: {  	s0 =	sadd.s32 s7, s5;
	_ =	swait.ge @!p0 [sflag:s2], $0x4000  }
0xcf: {  	s28 =	sshll.u32 s0, $0xB;
	[sflag:s2] =	ssyncset.done @!p0 $0x0  }
0xd0: {  	s0 =	sadd.s32 s1, s28;
	[sflag:s2] =	ssyncadd.s32 @!p0 $0xFFFFC000  }
0xd1: {  	[tilespmem:s16], [sflag:$0x4] =	stream.linear.gather [hbm4b:s0+s4], $0x4000, $0x38;
	[tilespmem:$0x10000] =	vst v63  }
0xd2: {  	_ =	swait.ge [sflag:s17], $0x4000  }
0xd3: {  	[sflag:s17] =	ssyncset.done $0x0  }
0xd4: {  	s0 =	simm.s32 $0x4040;
	[sflag:s17] =	ssyncadd.s32 $0xFFFFC000  }
0xd5: {  	v3 =	vld [tilespmem:s0+$0x30]  }
0xd6: {  	v4 =	vld [tilespmem:s0+$0xFFFFFFD0]  }
0xd7: {  	v5 =	vld [tilespmem:s0+$0xFFFFFFE0]  }
0xd8: {  	v2 =	vld [tilespmem:s0+$0xFFFFFFF0]  }
0xd9: {  	v1 =	vld [tilespmem:s0+$0x0]  }
0xda: {  	v0 =	vld [tilespmem:s0+$0x10];
	v6 =	vmax.f32 v3, $0.0e+00  }
0xdb: {  	v7 =	vmax.f32 v4, $0.0e+00;
	v3 =	vld [tilespmem:s0+$0x20];
	[tilespmem:s0+$0x30] =	vst v6  }
0xdc: {  	s31 =	simm.s32 $0x40F0;
	s5 =	simm.s32 $0x4440;
	s2 =	simm.s32 $0x0;
	v4 =	vld [tilespmem:s0+$0xFFFFFFC0];
	v5 =	vmax.f32 v5, $0.0e+00;
	[tilespmem:s0+$0xFFFFFFD0] =	vst v7  }
.LBB2_19:
0xdd: {  	v6 =	vld [tilespmem:s5+$0x30];
	s2 =	sadd.s32 $0x8, s2;
	[tilespmem:s0+$0xFFFFFFE0] =	vst v5;
	v2 =	vmax.f32 v2, $0.0e+00  }
0xde: {  	v5 =	vld [tilespmem:s5+$0xFFFFFFD0];
	p0 =	slt.u32 s2, $0x78;
	[tilespmem:s0+$0xFFFFFFF0] =	vst v2;
	v1 =	vmax.f32 v1, $0.0e+00  }
0xdf: {  	v7 =	vld [tilespmem:s5+$0xFFFFFFE0];
	[tilespmem:s0+$0x0] =	vst v1;
	v0 =	vmax.f32 v0, $0.0e+00  }
.Ltmp8:
0xe0: {  	v2 =	vld [tilespmem:s5+$0xFFFFFFF0];
	[tilespmem:s0+$0x10] =	vst v0;
	v0 =	vmax.f32 v3, $0.0e+00;
	(pc) =	sbr.rel @p0 .LBB2_19-.Ltmp8, $4  }
0xe1: {  	v1 =	vld [tilespmem:s5+$0x0];
	v3 =	vmax.f32 v4, $0.0e+00;
	[tilespmem:s0+$0x20] =	vst v0  }
0xe2: {  	v0 =	vld [tilespmem:s5+$0x10];
	v4 =	vmax.f32 v6, $0.0e+00;
	[tilespmem:s0+$0xFFFFFFC0] =	vst v3;
	s0 =	smov.u32 s5  }
0xe3: {  	v5 =	vmax.f32 v5, $0.0e+00;
	v3 =	vld [tilespmem:s5+$0x20];
	[tilespmem:s5+$0x30] =	vst v4  }
0xe4: {  	s5 =	sadd.s32 $0x400, s5;
	v4 =	vld [tilespmem:s0+$0xFFFFFFC0];
	[tilespmem:s0+$0xFFFFFFD0] =	vst v5;
	v5 =	vmax.f32 v7, $0.0e+00  }
0xe5: {  	[tilespmem:s0+$0xFFFFFFE0] =	vst v5;
	v2 =	vmax.f32 v2, $0.0e+00  }
0xe6: {  	[tilespmem:s0+$0xFFFFFFF0] =	vst v2;
	v1 =	vmax.f32 v1, $0.0e+00  }
0xe7: {  	[tilespmem:s0+$0x0] =	vst v1;
	v0 =	vmax.f32 v0, $0.0e+00  }
0xe8: {  	[tilespmem:s0+$0x10] =	vst v0;
	v0 =	vmax.f32 v3, $0.0e+00  }
0xe9: {  	v1 =	vmax.f32 v4, $0.0e+00;
	[tilespmem:s0+$0x20] =	vst v0  }
0xea: {  	[tilespmem:s0+$0xFFFFFFC0] =	vst v1  }
0xeb: {  	v3 =	vld [tilespmem:s31+$0x0]  }
0xec: {  	v4 =	vld [tilespmem:s31+$0xFFFFFFA0]  }
0xed: {  	v5 =	vld [tilespmem:s31+$0xFFFFFFB0]  }
0xee: {  	v2 =	vld [tilespmem:s31+$0xFFFFFFC0]  }
0xef: {  	v1 =	vld [tilespmem:s31+$0xFFFFFFD0]  }
0xf0: {  	v0 =	vld [tilespmem:s31+$0xFFFFFFE0];
	v6 =	vmax.f32 v3, $0.0e+00  }
0xf1: {  	v7 =	vmax.f32 v4, $0.0e+00;
	v3 =	vld [tilespmem:s31+$0xFFFFFFF0];
	[tilespmem:s31+$0x0] =	vst v6  }
0xf2: {  	s2 =	simm.s32 $0x0;
	s5 =	simm.s32 $0x44F0;
	s0 =	simm.s32 $0x4170;
	v4 =	vld [tilespmem:s31+$0xFFFFFF90];
	v5 =	vmax.f32 v5, $0.0e+00;
	[tilespmem:s31+$0xFFFFFFA0] =	vst v7  }
.LBB2_21:
0xf3: {  	v6 =	vld [tilespmem:s5+$0x0];
	s2 =	sadd.s32 $0x8, s2;
	[tilespmem:s31+$0xFFFFFFB0] =	vst v5;
	v2 =	vmax.f32 v2, $0.0e+00  }
0xf4: {  	v5 =	vld [tilespmem:s5+$0xFFFFFFA0];
	p0 =	slt.u32 s2, $0x78;
	[tilespmem:s31+$0xFFFFFFC0] =	vst v2;
	v1 =	vmax.f32 v1, $0.0e+00  }
0xf5: {  	v7 =	vld [tilespmem:s5+$0xFFFFFFB0];
	[tilespmem:s31+$0xFFFFFFD0] =	vst v1;
	v0 =	vmax.f32 v0, $0.0e+00  }
.Ltmp9:
0xf6: {  	v2 =	vld [tilespmem:s5+$0xFFFFFFC0];
	[tilespmem:s31+$0xFFFFFFE0] =	vst v0;
	v0 =	vmax.f32 v3, $0.0e+00;
	(pc) =	sbr.rel @p0 .LBB2_21-.Ltmp9, $4  }
0xf7: {  	v1 =	vld [tilespmem:s5+$0xFFFFFFD0];
	v3 =	vmax.f32 v4, $0.0e+00;
	[tilespmem:s31+$0xFFFFFFF0] =	vst v0  }
0xf8: {  	v0 =	vld [tilespmem:s5+$0xFFFFFFE0];
	v4 =	vmax.f32 v6, $0.0e+00;
	[tilespmem:s31+$0xFFFFFF90] =	vst v3;
	s31 =	smov.u32 s5  }
0xf9: {  	v5 =	vmax.f32 v5, $0.0e+00;
	v3 =	vld [tilespmem:s5+$0xFFFFFFF0];
	[tilespmem:s5+$0x0] =	vst v4  }
0xfa: {  	s5 =	sadd.s32 $0x400, s5;
	v4 =	vld [tilespmem:s31+$0xFFFFFF90];
	[tilespmem:s31+$0xFFFFFFA0] =	vst v5;
	v5 =	vmax.f32 v7, $0.0e+00  }
0xfb: {  	[tilespmem:s31+$0xFFFFFFB0] =	vst v5;
	v2 =	vmax.f32 v2, $0.0e+00  }
0xfc: {  	[tilespmem:s31+$0xFFFFFFC0] =	vst v2;
	v1 =	vmax.f32 v1, $0.0e+00  }
0xfd: {  	[tilespmem:s31+$0xFFFFFFD0] =	vst v1;
	v0 =	vmax.f32 v0, $0.0e+00  }
0xfe: {  	[tilespmem:s31+$0xFFFFFFE0] =	vst v0;
	v0 =	vmax.f32 v3, $0.0e+00  }
0xff: {  	v1 =	vmax.f32 v4, $0.0e+00;
	[tilespmem:s31+$0xFFFFFFF0] =	vst v0  }
0x100: {  	[tilespmem:s31+$0xFFFFFF90] =	vst v1  }
0x101: {  	v3 =	vld [tilespmem:s0+$0x0]  }
0x102: {  	v4 =	vld [tilespmem:s0+$0xFFFFFFA0]  }
0x103: {  	v5 =	vld [tilespmem:s0+$0xFFFFFFB0]  }
0x104: {  	v2 =	vld [tilespmem:s0+$0xFFFFFFC0]  }
0x105: {  	v1 =	vld [tilespmem:s0+$0xFFFFFFD0]  }
0x106: {  	v0 =	vld [tilespmem:s0+$0xFFFFFFE0];
	v6 =	vmax.f32 v3, $0.0e+00  }
0x107: {  	v7 =	vmax.f32 v4, $0.0e+00;
	v3 =	vld [tilespmem:s0+$0xFFFFFFF0];
	[tilespmem:s0+$0x0] =	vst v6  }
0x108: {  	s2 =	simm.s32 $0x0;
	s5 =	simm.s32 $0x4570;
	s31 =	simm.s32 $0x41F0;
	v4 =	vld [tilespmem:s0+$0xFFFFFF90];
	v5 =	vmax.f32 v5, $0.0e+00;
	[tilespmem:s0+$0xFFFFFFA0] =	vst v7  }
.LBB2_23:
0x109: {  	v6 =	vld [tilespmem:s5+$0x0];
	s2 =	sadd.s32 $0x8, s2;
	[tilespmem:s0+$0xFFFFFFB0] =	vst v5;
	v2 =	vmax.f32 v2, $0.0e+00  }
0x10a: {  	v5 =	vld [tilespmem:s5+$0xFFFFFFA0];
	p0 =	slt.u32 s2, $0x78;
	[tilespmem:s0+$0xFFFFFFC0] =	vst v2;
	v1 =	vmax.f32 v1, $0.0e+00  }
0x10b: {  	v7 =	vld [tilespmem:s5+$0xFFFFFFB0];
	[tilespmem:s0+$0xFFFFFFD0] =	vst v1;
	v0 =	vmax.f32 v0, $0.0e+00  }
.Ltmp10:
0x10c: {  	v2 =	vld [tilespmem:s5+$0xFFFFFFC0];
	[tilespmem:s0+$0xFFFFFFE0] =	vst v0;
	v0 =	vmax.f32 v3, $0.0e+00;
	(pc) =	sbr.rel @p0 .LBB2_23-.Ltmp10, $4  }
0x10d: {  	v1 =	vld [tilespmem:s5+$0xFFFFFFD0];
	v3 =	vmax.f32 v4, $0.0e+00;
	[tilespmem:s0+$0xFFFFFFF0] =	vst v0  }
0x10e: {  	v0 =	vld [tilespmem:s5+$0xFFFFFFE0];
	v4 =	vmax.f32 v6, $0.0e+00;
	[tilespmem:s0+$0xFFFFFF90] =	vst v3;
	s0 =	smov.u32 s5  }
0x10f: {  	v5 =	vmax.f32 v5, $0.0e+00;
	v3 =	vld [tilespmem:s5+$0xFFFFFFF0];
	[tilespmem:s5+$0x0] =	vst v4  }
0x110: {  	s5 =	sadd.s32 $0x400, s5;
	v4 =	vld [tilespmem:s0+$0xFFFFFF90];
	[tilespmem:s0+$0xFFFFFFA0] =	vst v5;
	v5 =	vmax.f32 v7, $0.0e+00  }
0x111: {  	[tilespmem:s0+$0xFFFFFFB0] =	vst v5;
	v2 =	vmax.f32 v2, $0.0e+00  }
0x112: {  	[tilespmem:s0+$0xFFFFFFC0] =	vst v2;
	v1 =	vmax.f32 v1, $0.0e+00  }
0x113: {  	[tilespmem:s0+$0xFFFFFFD0] =	vst v1;
	v0 =	vmax.f32 v0, $0.0e+00  }
0x114: {  	[tilespmem:s0+$0xFFFFFFE0] =	vst v0;
	v0 =	vmax.f32 v3, $0.0e+00  }
0x115: {  	v1 =	vmax.f32 v4, $0.0e+00;
	[tilespmem:s0+$0xFFFFFFF0] =	vst v0  }
0x116: {  	[tilespmem:s0+$0xFFFFFF90] =	vst v1  }
0x117: {  	v3 =	vld [tilespmem:s31+$0x0]  }
0x118: {  	v4 =	vld [tilespmem:s31+$0xFFFFFFA0]  }
0x119: {  	v5 =	vld [tilespmem:s31+$0xFFFFFFB0]  }
0x11a: {  	v2 =	vld [tilespmem:s31+$0xFFFFFFC0]  }
0x11b: {  	v1 =	vld [tilespmem:s31+$0xFFFFFFD0]  }
0x11c: {  	v0 =	vld [tilespmem:s31+$0xFFFFFFE0];
	v6 =	vmax.f32 v3, $0.0e+00  }
0x11d: {  	v7 =	vmax.f32 v4, $0.0e+00;
	v3 =	vld [tilespmem:s31+$0xFFFFFFF0];
	[tilespmem:s31+$0x0] =	vst v6  }
0x11e: {  	s2 =	simm.s32 $0x0;
	s5 =	simm.s32 $0x45F0;
	s0 =	simm.s32 $0x4270;
	v4 =	vld [tilespmem:s31+$0xFFFFFF90];
	v5 =	vmax.f32 v5, $0.0e+00;
	[tilespmem:s31+$0xFFFFFFA0] =	vst v7  }
.LBB2_25:
0x11f: {  	v6 =	vld [tilespmem:s5+$0x0];
	s2 =	sadd.s32 $0x8, s2;
	[tilespmem:s31+$0xFFFFFFB0] =	vst v5;
	v2 =	vmax.f32 v2, $0.0e+00  }
0x120: {  	v5 =	vld [tilespmem:s5+$0xFFFFFFA0];
	p0 =	slt.u32 s2, $0x78;
	[tilespmem:s31+$0xFFFFFFC0] =	vst v2;
	v1 =	vmax.f32 v1, $0.0e+00  }
0x121: {  	v7 =	vld [tilespmem:s5+$0xFFFFFFB0];
	[tilespmem:s31+$0xFFFFFFD0] =	vst v1;
	v0 =	vmax.f32 v0, $0.0e+00  }
.Ltmp11:
0x122: {  	v2 =	vld [tilespmem:s5+$0xFFFFFFC0];
	[tilespmem:s31+$0xFFFFFFE0] =	vst v0;
	v0 =	vmax.f32 v3, $0.0e+00;
	(pc) =	sbr.rel @p0 .LBB2_25-.Ltmp11, $4  }
0x123: {  	v1 =	vld [tilespmem:s5+$0xFFFFFFD0];
	v3 =	vmax.f32 v4, $0.0e+00;
	[tilespmem:s31+$0xFFFFFFF0] =	vst v0  }
0x124: {  	v0 =	vld [tilespmem:s5+$0xFFFFFFE0];
	v4 =	vmax.f32 v6, $0.0e+00;
	[tilespmem:s31+$0xFFFFFF90] =	vst v3;
	s31 =	smov.u32 s5  }
0x125: {  	v5 =	vmax.f32 v5, $0.0e+00;
	v3 =	vld [tilespmem:s5+$0xFFFFFFF0];
	[tilespmem:s5+$0x0] =	vst v4  }
0x126: {  	s5 =	sadd.s32 $0x400, s5;
	v4 =	vld [tilespmem:s31+$0xFFFFFF90];
	[tilespmem:s31+$0xFFFFFFA0] =	vst v5;
	v5 =	vmax.f32 v7, $0.0e+00  }
0x127: {  	[tilespmem:s31+$0xFFFFFFB0] =	vst v5;
	v2 =	vmax.f32 v2, $0.0e+00  }
0x128: {  	[tilespmem:s31+$0xFFFFFFC0] =	vst v2;
	v1 =	vmax.f32 v1, $0.0e+00  }
0x129: {  	[tilespmem:s31+$0xFFFFFFD0] =	vst v1;
	v0 =	vmax.f32 v0, $0.0e+00  }
0x12a: {  	[tilespmem:s31+$0xFFFFFFE0] =	vst v0;
	v0 =	vmax.f32 v3, $0.0e+00  }
0x12b: {  	v1 =	vmax.f32 v4, $0.0e+00;
	[tilespmem:s31+$0xFFFFFFF0] =	vst v0  }
0x12c: {  	[tilespmem:s31+$0xFFFFFF90] =	vst v1  }
0x12d: {  	v3 =	vld [tilespmem:s0+$0x0]  }
0x12e: {  	v4 =	vld [tilespmem:s0+$0xFFFFFFA0]  }
0x12f: {  	v5 =	vld [tilespmem:s0+$0xFFFFFFB0]  }
0x130: {  	v2 =	vld [tilespmem:s0+$0xFFFFFFC0]  }
0x131: {  	v1 =	vld [tilespmem:s0+$0xFFFFFFD0]  }
0x132: {  	v0 =	vld [tilespmem:s0+$0xFFFFFFE0];
	v6 =	vmax.f32 v3, $0.0e+00  }
0x133: {  	v7 =	vmax.f32 v4, $0.0e+00;
	v3 =	vld [tilespmem:s0+$0xFFFFFFF0];
	[tilespmem:s0+$0x0] =	vst v6  }
0x134: {  	s2 =	simm.s32 $0x0;
	s5 =	simm.s32 $0x4670;
	s31 =	simm.s32 $0x42F0;
	v4 =	vld [tilespmem:s0+$0xFFFFFF90];
	v5 =	vmax.f32 v5, $0.0e+00;
	[tilespmem:s0+$0xFFFFFFA0] =	vst v7  }
.LBB2_27:
0x135: {  	v6 =	vld [tilespmem:s5+$0x0];
	s2 =	sadd.s32 $0x8, s2;
	[tilespmem:s0+$0xFFFFFFB0] =	vst v5;
	v2 =	vmax.f32 v2, $0.0e+00  }
0x136: {  	v5 =	vld [tilespmem:s5+$0xFFFFFFA0];
	p0 =	slt.u32 s2, $0x78;
	[tilespmem:s0+$0xFFFFFFC0] =	vst v2;
	v1 =	vmax.f32 v1, $0.0e+00  }
0x137: {  	v7 =	vld [tilespmem:s5+$0xFFFFFFB0];
	[tilespmem:s0+$0xFFFFFFD0] =	vst v1;
	v0 =	vmax.f32 v0, $0.0e+00  }
.Ltmp12:
0x138: {  	v2 =	vld [tilespmem:s5+$0xFFFFFFC0];
	[tilespmem:s0+$0xFFFFFFE0] =	vst v0;
	v0 =	vmax.f32 v3, $0.0e+00;
	(pc) =	sbr.rel @p0 .LBB2_27-.Ltmp12, $4  }
0x139: {  	v1 =	vld [tilespmem:s5+$0xFFFFFFD0];
	v3 =	vmax.f32 v4, $0.0e+00;
	[tilespmem:s0+$0xFFFFFFF0] =	vst v0  }
0x13a: {  	v0 =	vld [tilespmem:s5+$0xFFFFFFE0];
	v4 =	vmax.f32 v6, $0.0e+00;
	[tilespmem:s0+$0xFFFFFF90] =	vst v3;
	s0 =	smov.u32 s5  }
0x13b: {  	v5 =	vmax.f32 v5, $0.0e+00;
	v3 =	vld [tilespmem:s5+$0xFFFFFFF0];
	[tilespmem:s5+$0x0] =	vst v4  }
0x13c: {  	s5 =	sadd.s32 $0x400, s5;
	v4 =	vld [tilespmem:s0+$0xFFFFFF90];
	[tilespmem:s0+$0xFFFFFFA0] =	vst v5;
	v5 =	vmax.f32 v7, $0.0e+00  }
0x13d: {  	[tilespmem:s0+$0xFFFFFFB0] =	vst v5;
	v2 =	vmax.f32 v2, $0.0e+00  }
0x13e: {  	[tilespmem:s0+$0xFFFFFFC0] =	vst v2;
	v1 =	vmax.f32 v1, $0.0e+00  }
0x13f: {  	[tilespmem:s0+$0xFFFFFFD0] =	vst v1;
	v0 =	vmax.f32 v0, $0.0e+00  }
0x140: {  	[tilespmem:s0+$0xFFFFFFE0] =	vst v0;
	v0 =	vmax.f32 v3, $0.0e+00  }
0x141: {  	v1 =	vmax.f32 v4, $0.0e+00;
	[tilespmem:s0+$0xFFFFFFF0] =	vst v0  }
0x142: {  	[tilespmem:s0+$0xFFFFFF90] =	vst v1  }
0x143: {  	v3 =	vld [tilespmem:s31+$0x0]  }
0x144: {  	v4 =	vld [tilespmem:s31+$0xFFFFFFA0]  }
0x145: {  	v5 =	vld [tilespmem:s31+$0xFFFFFFB0]  }
0x146: {  	v2 =	vld [tilespmem:s31+$0xFFFFFFC0]  }
0x147: {  	v1 =	vld [tilespmem:s31+$0xFFFFFFD0]  }
0x148: {  	v0 =	vld [tilespmem:s31+$0xFFFFFFE0];
	v6 =	vmax.f32 v3, $0.0e+00  }
0x149: {  	v7 =	vmax.f32 v4, $0.0e+00;
	v3 =	vld [tilespmem:s31+$0xFFFFFFF0];
	[tilespmem:s31+$0x0] =	vst v6  }
0x14a: {  	s2 =	simm.s32 $0x0;
	s5 =	simm.s32 $0x46F0;
	s0 =	simm.s32 $0x4370;
	v4 =	vld [tilespmem:s31+$0xFFFFFF90];
	v5 =	vmax.f32 v5, $0.0e+00;
	[tilespmem:s31+$0xFFFFFFA0] =	vst v7  }
.LBB2_29:
0x14b: {  	v6 =	vld [tilespmem:s5+$0x0];
	s2 =	sadd.s32 $0x8, s2;
	[tilespmem:s31+$0xFFFFFFB0] =	vst v5;
	v2 =	vmax.f32 v2, $0.0e+00  }
0x14c: {  	v5 =	vld [tilespmem:s5+$0xFFFFFFA0];
	p0 =	slt.u32 s2, $0x78;
	[tilespmem:s31+$0xFFFFFFC0] =	vst v2;
	v1 =	vmax.f32 v1, $0.0e+00  }
0x14d: {  	v7 =	vld [tilespmem:s5+$0xFFFFFFB0];
	[tilespmem:s31+$0xFFFFFFD0] =	vst v1;
	v0 =	vmax.f32 v0, $0.0e+00  }
.Ltmp13:
0x14e: {  	v2 =	vld [tilespmem:s5+$0xFFFFFFC0];
	[tilespmem:s31+$0xFFFFFFE0] =	vst v0;
	v0 =	vmax.f32 v3, $0.0e+00;
	(pc) =	sbr.rel @p0 .LBB2_29-.Ltmp13, $4  }
0x14f: {  	v1 =	vld [tilespmem:s5+$0xFFFFFFD0];
	v3 =	vmax.f32 v4, $0.0e+00;
	[tilespmem:s31+$0xFFFFFFF0] =	vst v0  }
0x150: {  	v0 =	vld [tilespmem:s5+$0xFFFFFFE0];
	v4 =	vmax.f32 v6, $0.0e+00;
	[tilespmem:s31+$0xFFFFFF90] =	vst v3;
	s31 =	smov.u32 s5  }
0x151: {  	v5 =	vmax.f32 v5, $0.0e+00;
	v3 =	vld [tilespmem:s5+$0xFFFFFFF0];
	[tilespmem:s5+$0x0] =	vst v4  }
0x152: {  	s5 =	sadd.s32 $0x400, s5;
	v4 =	vld [tilespmem:s31+$0xFFFFFF90];
	[tilespmem:s31+$0xFFFFFFA0] =	vst v5;
	v5 =	vmax.f32 v7, $0.0e+00  }
0x153: {  	[tilespmem:s31+$0xFFFFFFB0] =	vst v5;
	v2 =	vmax.f32 v2, $0.0e+00  }
0x154: {  	[tilespmem:s31+$0xFFFFFFC0] =	vst v2;
	v1 =	vmax.f32 v1, $0.0e+00  }
0x155: {  	[tilespmem:s31+$0xFFFFFFD0] =	vst v1;
	v0 =	vmax.f32 v0, $0.0e+00  }
0x156: {  	[tilespmem:s31+$0xFFFFFFE0] =	vst v0;
	v0 =	vmax.f32 v3, $0.0e+00  }
0x157: {  	v1 =	vmax.f32 v4, $0.0e+00;
	[tilespmem:s31+$0xFFFFFFF0] =	vst v0  }
0x158: {  	[tilespmem:s31+$0xFFFFFF90] =	vst v1  }
0x159: {  	v3 =	vld [tilespmem:s0+$0x0]  }
0x15a: {  	v4 =	vld [tilespmem:s0+$0xFFFFFFA0]  }
0x15b: {  	v5 =	vld [tilespmem:s0+$0xFFFFFFB0]  }
0x15c: {  	v2 =	vld [tilespmem:s0+$0xFFFFFFC0]  }
0x15d: {  	v1 =	vld [tilespmem:s0+$0xFFFFFFD0]  }
0x15e: {  	v0 =	vld [tilespmem:s0+$0xFFFFFFE0];
	v6 =	vmax.f32 v3, $0.0e+00  }
0x15f: {  	v7 =	vmax.f32 v4, $0.0e+00;
	v3 =	vld [tilespmem:s0+$0xFFFFFFF0];
	[tilespmem:s0+$0x0] =	vst v6  }
0x160: {  	s2 =	simm.s32 $0x0;
	s5 =	simm.s32 $0x4770;
	s31 =	simm.s32 $0x43F0;
	v4 =	vld [tilespmem:s0+$0xFFFFFF90];
	v5 =	vmax.f32 v5, $0.0e+00;
	[tilespmem:s0+$0xFFFFFFA0] =	vst v7  }
.LBB2_31:
0x161: {  	v6 =	vld [tilespmem:s5+$0x0];
	s2 =	sadd.s32 $0x8, s2;
	[tilespmem:s0+$0xFFFFFFB0] =	vst v5;
	v2 =	vmax.f32 v2, $0.0e+00  }
0x162: {  	v5 =	vld [tilespmem:s5+$0xFFFFFFA0];
	p0 =	slt.u32 s2, $0x78;
	[tilespmem:s0+$0xFFFFFFC0] =	vst v2;
	v1 =	vmax.f32 v1, $0.0e+00  }
0x163: {  	v7 =	vld [tilespmem:s5+$0xFFFFFFB0];
	[tilespmem:s0+$0xFFFFFFD0] =	vst v1;
	v0 =	vmax.f32 v0, $0.0e+00  }
.Ltmp14:
0x164: {  	v2 =	vld [tilespmem:s5+$0xFFFFFFC0];
	[tilespmem:s0+$0xFFFFFFE0] =	vst v0;
	v0 =	vmax.f32 v3, $0.0e+00;
	(pc) =	sbr.rel @p0 .LBB2_31-.Ltmp14, $4  }
0x165: {  	v1 =	vld [tilespmem:s5+$0xFFFFFFD0];
	v3 =	vmax.f32 v4, $0.0e+00;
	[tilespmem:s0+$0xFFFFFFF0] =	vst v0  }
0x166: {  	v0 =	vld [tilespmem:s5+$0xFFFFFFE0];
	v4 =	vmax.f32 v6, $0.0e+00;
	[tilespmem:s0+$0xFFFFFF90] =	vst v3;
	s0 =	smov.u32 s5  }
0x167: {  	v5 =	vmax.f32 v5, $0.0e+00;
	v3 =	vld [tilespmem:s5+$0xFFFFFFF0];
	[tilespmem:s5+$0x0] =	vst v4  }
0x168: {  	s5 =	sadd.s32 $0x400, s5;
	v4 =	vld [tilespmem:s0+$0xFFFFFF90];
	[tilespmem:s0+$0xFFFFFFA0] =	vst v5;
	v5 =	vmax.f32 v7, $0.0e+00  }
0x169: {  	[tilespmem:s0+$0xFFFFFFB0] =	vst v5;
	v2 =	vmax.f32 v2, $0.0e+00  }
0x16a: {  	[tilespmem:s0+$0xFFFFFFC0] =	vst v2;
	v1 =	vmax.f32 v1, $0.0e+00  }
0x16b: {  	[tilespmem:s0+$0xFFFFFFD0] =	vst v1;
	v0 =	vmax.f32 v0, $0.0e+00  }
0x16c: {  	[tilespmem:s0+$0xFFFFFFE0] =	vst v0;
	v0 =	vmax.f32 v3, $0.0e+00  }
0x16d: {  	v1 =	vmax.f32 v4, $0.0e+00;
	[tilespmem:s0+$0xFFFFFFF0] =	vst v0  }
0x16e: {  	[tilespmem:s0+$0xFFFFFF90] =	vst v1  }
0x16f: {  	v3 =	vld [tilespmem:s31+$0x0]  }
0x170: {  	v4 =	vld [tilespmem:s31+$0xFFFFFFA0]  }
0x171: {  	v5 =	vld [tilespmem:s31+$0xFFFFFFB0]  }
0x172: {  	v2 =	vld [tilespmem:s31+$0xFFFFFFC0]  }
0x173: {  	v1 =	vld [tilespmem:s31+$0xFFFFFFD0]  }
0x174: {  	v0 =	vld [tilespmem:s31+$0xFFFFFFE0];
	v6 =	vmax.f32 v3, $0.0e+00  }
0x175: {  	v7 =	vmax.f32 v4, $0.0e+00;
	v3 =	vld [tilespmem:s31+$0xFFFFFFF0];
	[tilespmem:s31+$0x0] =	vst v6  }
0x176: {  	s2 =	simm.s32 $0x47F0;
	s0 =	simm.s32 $0x0;
	v4 =	vld [tilespmem:s31+$0xFFFFFF90];
	v5 =	vmax.f32 v5, $0.0e+00;
	[tilespmem:s31+$0xFFFFFFA0] =	vst v7  }
.LBB2_33:
0x177: {  	v6 =	vld [tilespmem:s2+$0x0];
	s0 =	sadd.s32 $0x8, s0;
	[tilespmem:s31+$0xFFFFFFB0] =	vst v5;
	v2 =	vmax.f32 v2, $0.0e+00  }
0x178: {  	v5 =	vld [tilespmem:s2+$0xFFFFFFA0];
	p0 =	slt.u32 s0, $0x78;
	[tilespmem:s31+$0xFFFFFFC0] =	vst v2;
	v1 =	vmax.f32 v1, $0.0e+00  }
0x179: {  	v7 =	vld [tilespmem:s2+$0xFFFFFFB0];
	[tilespmem:s31+$0xFFFFFFD0] =	vst v1;
	v0 =	vmax.f32 v0, $0.0e+00  }
.Ltmp15:
0x17a: {  	v2 =	vld [tilespmem:s2+$0xFFFFFFC0];
	[tilespmem:s31+$0xFFFFFFE0] =	vst v0;
	v0 =	vmax.f32 v3, $0.0e+00;
	(pc) =	sbr.rel @p0 .LBB2_33-.Ltmp15, $4  }
0x17b: {  	v1 =	vld [tilespmem:s2+$0xFFFFFFD0];
	v3 =	vmax.f32 v4, $0.0e+00;
	[tilespmem:s31+$0xFFFFFFF0] =	vst v0  }
0x17c: {  	v0 =	vld [tilespmem:s2+$0xFFFFFFE0];
	v4 =	vmax.f32 v6, $0.0e+00;
	[tilespmem:s31+$0xFFFFFF90] =	vst v3;
	s31 =	smov.u32 s2  }
0x17d: {  	v5 =	vmax.f32 v5, $0.0e+00;
	v3 =	vld [tilespmem:s2+$0xFFFFFFF0];
	[tilespmem:s2+$0x0] =	vst v4  }
0x17e: {  	s2 =	sadd.s32 $0x400, s2;
	v4 =	vld [tilespmem:s31+$0xFFFFFF90];
	[tilespmem:s31+$0xFFFFFFA0] =	vst v5;
	v5 =	vmax.f32 v7, $0.0e+00  }
0x17f: {  	[tilespmem:s31+$0xFFFFFFB0] =	vst v5;
	v2 =	vmax.f32 v2, $0.0e+00  }
0x180: {  	[tilespmem:s31+$0xFFFFFFC0] =	vst v2;
	v1 =	vmax.f32 v1, $0.0e+00  }
0x181: {  	[tilespmem:s31+$0xFFFFFFD0] =	vst v1;
	v0 =	vmax.f32 v0, $0.0e+00  }
0x182: {  	[tilespmem:s31+$0xFFFFFFE0] =	vst v0;
	v0 =	vmax.f32 v3, $0.0e+00  }
0x183: {  	v1 =	vmax.f32 v4, $0.0e+00;
	[tilespmem:s31+$0xFFFFFFF0] =	vst v0  }
0x184: {  	s0 =	sadd.s32 s12, s30;
	p0 =	seq.s32 s25, $0x3;
	[tilespmem:s31+$0xFFFFFF90] =	vst v1  }
0x185: {  	[hbm4b:s0+s4] =	stream.linear.scatter [tilespmem:s13], [sflag:$0x6], $0x4000, $0x38;
	[tilespmem:$0x10000] =	vst v63  }
0x186: {  	s2 =	sadd.s32 @!p0 s26, s9;
	s0 =	simm.s32 @!p0 $0x5  }
0x187: {  	s2 =	sshll.u32 @!p0 s2, $0xB;
	_ =	swait.ge @!p0 [sflag:s0], $0x4000  }
0x188: {  	s2 =	sand.u32 @!p0 $0x1FFFE000, s2;
	[sflag:s0] =	ssyncset.done @!p0 $0x0  }
0x189: {  	[sflag:s0] =	ssyncadd.s32 @!p0 $0xFFFFC000;
	s0 =	sadd.s32 @!p0 s1, s2;
	s2 =	simm.s32 @!p0 $0x0  }
0x18a: {  	[tilespmem:s2], [sflag:$0x1] =	stream.linear.gather @!p0 [hbm4b:s0+s2], $0x4000, $0x38;
	[tilespmem:$0x10000] =	vst v63  }
0x18b: {  	_ =	swait.ge [sflag:s18], $0x4000  }
0x18c: {  	[sflag:s18] =	ssyncset.done $0x0  }
0x18d: {  	s30 =	simm.s32 $0x8040;
	[sflag:s18] =	ssyncadd.s32 $0xFFFFC000  }
0x18e: {  	v3 =	vld [tilespmem:s30+$0x30]  }
0x18f: {  	v4 =	vld [tilespmem:s30+$0xFFFFFFD0]  }
0x190: {  	v5 =	vld [tilespmem:s30+$0xFFFFFFE0]  }
0x191: {  	v2 =	vld [tilespmem:s30+$0xFFFFFFF0]  }
0x192: {  	v1 =	vld [tilespmem:s30+$0x0]  }
0x193: {  	v0 =	vld [tilespmem:s30+$0x10];
	v6 =	vmax.f32 v3, $0.0e+00  }
0x194: {  	v7 =	vmax.f32 v4, $0.0e+00;
	v3 =	vld [tilespmem:s30+$0x20];
	[tilespmem:s30+$0x30] =	vst v6  }
0x195: {  	s5 =	simm.s32 $0x8440;
	s2 =	simm.s32 $0x0;
	s0 =	simm.s32 $0x80F0;
	v4 =	vld [tilespmem:s30+$0xFFFFFFC0];
	v5 =	vmax.f32 v5, $0.0e+00;
	[tilespmem:s30+$0xFFFFFFD0] =	vst v7  }
.LBB2_35:
0x196: {  	v6 =	vld [tilespmem:s5+$0x30];
	s2 =	sadd.s32 $0x8, s2;
	[tilespmem:s30+$0xFFFFFFE0] =	vst v5;
	v2 =	vmax.f32 v2, $0.0e+00  }
0x197: {  	v5 =	vld [tilespmem:s5+$0xFFFFFFD0];
	p1 =	slt.u32 s2, $0x78;
	[tilespmem:s30+$0xFFFFFFF0] =	vst v2;
	v1 =	vmax.f32 v1, $0.0e+00  }
0x198: {  	v7 =	vld [tilespmem:s5+$0xFFFFFFE0];
	[tilespmem:s30+$0x0] =	vst v1;
	v0 =	vmax.f32 v0, $0.0e+00  }
.Ltmp16:
0x199: {  	v2 =	vld [tilespmem:s5+$0xFFFFFFF0];
	[tilespmem:s30+$0x10] =	vst v0;
	v0 =	vmax.f32 v3, $0.0e+00;
	(pc) =	sbr.rel @p1 .LBB2_35-.Ltmp16, $4  }
0x19a: {  	v1 =	vld [tilespmem:s5+$0x0];
	v3 =	vmax.f32 v4, $0.0e+00;
	[tilespmem:s30+$0x20] =	vst v0  }
0x19b: {  	v0 =	vld [tilespmem:s5+$0x10];
	v4 =	vmax.f32 v6, $0.0e+00;
	[tilespmem:s30+$0xFFFFFFC0] =	vst v3;
	s30 =	smov.u32 s5  }
0x19c: {  	v5 =	vmax.f32 v5, $0.0e+00;
	v3 =	vld [tilespmem:s5+$0x20];
	[tilespmem:s5+$0x30] =	vst v4  }
0x19d: {  	s5 =	sadd.s32 $0x400, s5;
	v4 =	vld [tilespmem:s30+$0xFFFFFFC0];
	[tilespmem:s30+$0xFFFFFFD0] =	vst v5;
	v5 =	vmax.f32 v7, $0.0e+00  }
0x19e: {  	[tilespmem:s30+$0xFFFFFFE0] =	vst v5;
	v2 =	vmax.f32 v2, $0.0e+00  }
0x19f: {  	[tilespmem:s30+$0xFFFFFFF0] =	vst v2;
	v1 =	vmax.f32 v1, $0.0e+00  }
0x1a0: {  	[tilespmem:s30+$0x0] =	vst v1;
	v0 =	vmax.f32 v0, $0.0e+00  }
0x1a1: {  	[tilespmem:s30+$0x10] =	vst v0;
	v0 =	vmax.f32 v3, $0.0e+00  }
0x1a2: {  	v1 =	vmax.f32 v4, $0.0e+00;
	[tilespmem:s30+$0x20] =	vst v0  }
0x1a3: {  	[tilespmem:s30+$0xFFFFFFC0] =	vst v1  }
0x1a4: {  	v3 =	vld [tilespmem:s0+$0x0]  }
0x1a5: {  	v4 =	vld [tilespmem:s0+$0xFFFFFFA0]  }
0x1a6: {  	v5 =	vld [tilespmem:s0+$0xFFFFFFB0]  }
0x1a7: {  	v2 =	vld [tilespmem:s0+$0xFFFFFFC0]  }
0x1a8: {  	v1 =	vld [tilespmem:s0+$0xFFFFFFD0]  }
0x1a9: {  	v0 =	vld [tilespmem:s0+$0xFFFFFFE0];
	v6 =	vmax.f32 v3, $0.0e+00  }
0x1aa: {  	v7 =	vmax.f32 v4, $0.0e+00;
	v3 =	vld [tilespmem:s0+$0xFFFFFFF0];
	[tilespmem:s0+$0x0] =	vst v6  }
0x1ab: {  	s2 =	simm.s32 $0x0;
	s5 =	simm.s32 $0x84F0;
	s30 =	simm.s32 $0x8170;
	v4 =	vld [tilespmem:s0+$0xFFFFFF90];
	v5 =	vmax.f32 v5, $0.0e+00;
	[tilespmem:s0+$0xFFFFFFA0] =	vst v7  }
.LBB2_37:
0x1ac: {  	v6 =	vld [tilespmem:s5+$0x0];
	s2 =	sadd.s32 $0x8, s2;
	[tilespmem:s0+$0xFFFFFFB0] =	vst v5;
	v2 =	vmax.f32 v2, $0.0e+00  }
0x1ad: {  	v5 =	vld [tilespmem:s5+$0xFFFFFFA0];
	p1 =	slt.u32 s2, $0x78;
	[tilespmem:s0+$0xFFFFFFC0] =	vst v2;
	v1 =	vmax.f32 v1, $0.0e+00  }
0x1ae: {  	v7 =	vld [tilespmem:s5+$0xFFFFFFB0];
	[tilespmem:s0+$0xFFFFFFD0] =	vst v1;
	v0 =	vmax.f32 v0, $0.0e+00  }
.Ltmp17:
0x1af: {  	v2 =	vld [tilespmem:s5+$0xFFFFFFC0];
	[tilespmem:s0+$0xFFFFFFE0] =	vst v0;
	v0 =	vmax.f32 v3, $0.0e+00;
	(pc) =	sbr.rel @p1 .LBB2_37-.Ltmp17, $4  }
0x1b0: {  	v1 =	vld [tilespmem:s5+$0xFFFFFFD0];
	v3 =	vmax.f32 v4, $0.0e+00;
	[tilespmem:s0+$0xFFFFFFF0] =	vst v0  }
0x1b1: {  	v0 =	vld [tilespmem:s5+$0xFFFFFFE0];
	v4 =	vmax.f32 v6, $0.0e+00;
	[tilespmem:s0+$0xFFFFFF90] =	vst v3;
	s0 =	smov.u32 s5  }
0x1b2: {  	v5 =	vmax.f32 v5, $0.0e+00;
	v3 =	vld [tilespmem:s5+$0xFFFFFFF0];
	[tilespmem:s5+$0x0] =	vst v4  }
0x1b3: {  	s5 =	sadd.s32 $0x400, s5;
	v4 =	vld [tilespmem:s0+$0xFFFFFF90];
	[tilespmem:s0+$0xFFFFFFA0] =	vst v5;
	v5 =	vmax.f32 v7, $0.0e+00  }
0x1b4: {  	[tilespmem:s0+$0xFFFFFFB0] =	vst v5;
	v2 =	vmax.f32 v2, $0.0e+00  }
0x1b5: {  	[tilespmem:s0+$0xFFFFFFC0] =	vst v2;
	v1 =	vmax.f32 v1, $0.0e+00  }
0x1b6: {  	[tilespmem:s0+$0xFFFFFFD0] =	vst v1;
	v0 =	vmax.f32 v0, $0.0e+00  }
0x1b7: {  	[tilespmem:s0+$0xFFFFFFE0] =	vst v0;
	v0 =	vmax.f32 v3, $0.0e+00  }
0x1b8: {  	v1 =	vmax.f32 v4, $0.0e+00;
	[tilespmem:s0+$0xFFFFFFF0] =	vst v0  }
0x1b9: {  	[tilespmem:s0+$0xFFFFFF90] =	vst v1  }
0x1ba: {  	v3 =	vld [tilespmem:s30+$0x0]  }
0x1bb: {  	v4 =	vld [tilespmem:s30+$0xFFFFFFA0]  }
0x1bc: {  	v5 =	vld [tilespmem:s30+$0xFFFFFFB0]  }
0x1bd: {  	v2 =	vld [tilespmem:s30+$0xFFFFFFC0]  }
0x1be: {  	v1 =	vld [tilespmem:s30+$0xFFFFFFD0]  }
0x1bf: {  	v0 =	vld [tilespmem:s30+$0xFFFFFFE0];
	v6 =	vmax.f32 v3, $0.0e+00  }
0x1c0: {  	v7 =	vmax.f32 v4, $0.0e+00;
	v3 =	vld [tilespmem:s30+$0xFFFFFFF0];
	[tilespmem:s30+$0x0] =	vst v6  }
0x1c1: {  	s2 =	simm.s32 $0x0;
	s5 =	simm.s32 $0x8570;
	s0 =	simm.s32 $0x81F0;
	v4 =	vld [tilespmem:s30+$0xFFFFFF90];
	v5 =	vmax.f32 v5, $0.0e+00;
	[tilespmem:s30+$0xFFFFFFA0] =	vst v7  }
.LBB2_39:
0x1c2: {  	v6 =	vld [tilespmem:s5+$0x0];
	s2 =	sadd.s32 $0x8, s2;
	[tilespmem:s30+$0xFFFFFFB0] =	vst v5;
	v2 =	vmax.f32 v2, $0.0e+00  }
0x1c3: {  	v5 =	vld [tilespmem:s5+$0xFFFFFFA0];
	p1 =	slt.u32 s2, $0x78;
	[tilespmem:s30+$0xFFFFFFC0] =	vst v2;
	v1 =	vmax.f32 v1, $0.0e+00  }
0x1c4: {  	v7 =	vld [tilespmem:s5+$0xFFFFFFB0];
	[tilespmem:s30+$0xFFFFFFD0] =	vst v1;
	v0 =	vmax.f32 v0, $0.0e+00  }
.Ltmp18:
0x1c5: {  	v2 =	vld [tilespmem:s5+$0xFFFFFFC0];
	[tilespmem:s30+$0xFFFFFFE0] =	vst v0;
	v0 =	vmax.f32 v3, $0.0e+00;
	(pc) =	sbr.rel @p1 .LBB2_39-.Ltmp18, $4  }
0x1c6: {  	v1 =	vld [tilespmem:s5+$0xFFFFFFD0];
	v3 =	vmax.f32 v4, $0.0e+00;
	[tilespmem:s30+$0xFFFFFFF0] =	vst v0  }
0x1c7: {  	v0 =	vld [tilespmem:s5+$0xFFFFFFE0];
	v4 =	vmax.f32 v6, $0.0e+00;
	[tilespmem:s30+$0xFFFFFF90] =	vst v3;
	s30 =	smov.u32 s5  }
0x1c8: {  	v5 =	vmax.f32 v5, $0.0e+00;
	v3 =	vld [tilespmem:s5+$0xFFFFFFF0];
	[tilespmem:s5+$0x0] =	vst v4  }
0x1c9: {  	s5 =	sadd.s32 $0x400, s5;
	v4 =	vld [tilespmem:s30+$0xFFFFFF90];
	[tilespmem:s30+$0xFFFFFFA0] =	vst v5;
	v5 =	vmax.f32 v7, $0.0e+00  }
0x1ca: {  	[tilespmem:s30+$0xFFFFFFB0] =	vst v5;
	v2 =	vmax.f32 v2, $0.0e+00  }
0x1cb: {  	[tilespmem:s30+$0xFFFFFFC0] =	vst v2;
	v1 =	vmax.f32 v1, $0.0e+00  }
0x1cc: {  	[tilespmem:s30+$0xFFFFFFD0] =	vst v1;
	v0 =	vmax.f32 v0, $0.0e+00  }
0x1cd: {  	[tilespmem:s30+$0xFFFFFFE0] =	vst v0;
	v0 =	vmax.f32 v3, $0.0e+00  }
0x1ce: {  	v1 =	vmax.f32 v4, $0.0e+00;
	[tilespmem:s30+$0xFFFFFFF0] =	vst v0  }
0x1cf: {  	[tilespmem:s30+$0xFFFFFF90] =	vst v1  }
0x1d0: {  	v3 =	vld [tilespmem:s0+$0x0]  }
0x1d1: {  	v4 =	vld [tilespmem:s0+$0xFFFFFFA0]  }
0x1d2: {  	v5 =	vld [tilespmem:s0+$0xFFFFFFB0]  }
0x1d3: {  	v2 =	vld [tilespmem:s0+$0xFFFFFFC0]  }
0x1d4: {  	v1 =	vld [tilespmem:s0+$0xFFFFFFD0]  }
0x1d5: {  	v0 =	vld [tilespmem:s0+$0xFFFFFFE0];
	v6 =	vmax.f32 v3, $0.0e+00  }
0x1d6: {  	v7 =	vmax.f32 v4, $0.0e+00;
	v3 =	vld [tilespmem:s0+$0xFFFFFFF0];
	[tilespmem:s0+$0x0] =	vst v6  }
0x1d7: {  	s2 =	simm.s32 $0x0;
	s5 =	simm.s32 $0x85F0;
	s30 =	simm.s32 $0x8270;
	v4 =	vld [tilespmem:s0+$0xFFFFFF90];
	v5 =	vmax.f32 v5, $0.0e+00;
	[tilespmem:s0+$0xFFFFFFA0] =	vst v7  }
.LBB2_41:
0x1d8: {  	v6 =	vld [tilespmem:s5+$0x0];
	s2 =	sadd.s32 $0x8, s2;
	[tilespmem:s0+$0xFFFFFFB0] =	vst v5;
	v2 =	vmax.f32 v2, $0.0e+00  }
0x1d9: {  	v5 =	vld [tilespmem:s5+$0xFFFFFFA0];
	p1 =	slt.u32 s2, $0x78;
	[tilespmem:s0+$0xFFFFFFC0] =	vst v2;
	v1 =	vmax.f32 v1, $0.0e+00  }
0x1da: {  	v7 =	vld [tilespmem:s5+$0xFFFFFFB0];
	[tilespmem:s0+$0xFFFFFFD0] =	vst v1;
	v0 =	vmax.f32 v0, $0.0e+00  }
.Ltmp19:
0x1db: {  	v2 =	vld [tilespmem:s5+$0xFFFFFFC0];
	[tilespmem:s0+$0xFFFFFFE0] =	vst v0;
	v0 =	vmax.f32 v3, $0.0e+00;
	(pc) =	sbr.rel @p1 .LBB2_41-.Ltmp19, $4  }
0x1dc: {  	v1 =	vld [tilespmem:s5+$0xFFFFFFD0];
	v3 =	vmax.f32 v4, $0.0e+00;
	[tilespmem:s0+$0xFFFFFFF0] =	vst v0  }
0x1dd: {  	v0 =	vld [tilespmem:s5+$0xFFFFFFE0];
	v4 =	vmax.f32 v6, $0.0e+00;
	[tilespmem:s0+$0xFFFFFF90] =	vst v3;
	s0 =	smov.u32 s5  }
0x1de: {  	v5 =	vmax.f32 v5, $0.0e+00;
	v3 =	vld [tilespmem:s5+$0xFFFFFFF0];
	[tilespmem:s5+$0x0] =	vst v4  }
0x1df: {  	s5 =	sadd.s32 $0x400, s5;
	v4 =	vld [tilespmem:s0+$0xFFFFFF90];
	[tilespmem:s0+$0xFFFFFFA0] =	vst v5;
	v5 =	vmax.f32 v7, $0.0e+00  }
0x1e0: {  	[tilespmem:s0+$0xFFFFFFB0] =	vst v5;
	v2 =	vmax.f32 v2, $0.0e+00  }
0x1e1: {  	[tilespmem:s0+$0xFFFFFFC0] =	vst v2;
	v1 =	vmax.f32 v1, $0.0e+00  }
0x1e2: {  	[tilespmem:s0+$0xFFFFFFD0] =	vst v1;
	v0 =	vmax.f32 v0, $0.0e+00  }
0x1e3: {  	[tilespmem:s0+$0xFFFFFFE0] =	vst v0;
	v0 =	vmax.f32 v3, $0.0e+00  }
0x1e4: {  	v1 =	vmax.f32 v4, $0.0e+00;
	[tilespmem:s0+$0xFFFFFFF0] =	vst v0  }
0x1e5: {  	[tilespmem:s0+$0xFFFFFF90] =	vst v1  }
0x1e6: {  	v3 =	vld [tilespmem:s30+$0x0]  }
0x1e7: {  	v4 =	vld [tilespmem:s30+$0xFFFFFFA0]  }
0x1e8: {  	v5 =	vld [tilespmem:s30+$0xFFFFFFB0]  }
0x1e9: {  	v2 =	vld [tilespmem:s30+$0xFFFFFFC0]  }
0x1ea: {  	v1 =	vld [tilespmem:s30+$0xFFFFFFD0]  }
0x1eb: {  	v0 =	vld [tilespmem:s30+$0xFFFFFFE0];
	v6 =	vmax.f32 v3, $0.0e+00  }
0x1ec: {  	v7 =	vmax.f32 v4, $0.0e+00;
	v3 =	vld [tilespmem:s30+$0xFFFFFFF0];
	[tilespmem:s30+$0x0] =	vst v6  }
0x1ed: {  	s2 =	simm.s32 $0x0;
	s5 =	simm.s32 $0x8670;
	s0 =	simm.s32 $0x82F0;
	v4 =	vld [tilespmem:s30+$0xFFFFFF90];
	v5 =	vmax.f32 v5, $0.0e+00;
	[tilespmem:s30+$0xFFFFFFA0] =	vst v7  }
.LBB2_43:
0x1ee: {  	v6 =	vld [tilespmem:s5+$0x0];
	s2 =	sadd.s32 $0x8, s2;
	[tilespmem:s30+$0xFFFFFFB0] =	vst v5;
	v2 =	vmax.f32 v2, $0.0e+00  }
0x1ef: {  	v5 =	vld [tilespmem:s5+$0xFFFFFFA0];
	p1 =	slt.u32 s2, $0x78;
	[tilespmem:s30+$0xFFFFFFC0] =	vst v2;
	v1 =	vmax.f32 v1, $0.0e+00  }
0x1f0: {  	v7 =	vld [tilespmem:s5+$0xFFFFFFB0];
	[tilespmem:s30+$0xFFFFFFD0] =	vst v1;
	v0 =	vmax.f32 v0, $0.0e+00  }
.Ltmp20:
0x1f1: {  	v2 =	vld [tilespmem:s5+$0xFFFFFFC0];
	[tilespmem:s30+$0xFFFFFFE0] =	vst v0;
	v0 =	vmax.f32 v3, $0.0e+00;
	(pc) =	sbr.rel @p1 .LBB2_43-.Ltmp20, $4  }
0x1f2: {  	v1 =	vld [tilespmem:s5+$0xFFFFFFD0];
	v3 =	vmax.f32 v4, $0.0e+00;
	[tilespmem:s30+$0xFFFFFFF0] =	vst v0  }
0x1f3: {  	v0 =	vld [tilespmem:s5+$0xFFFFFFE0];
	v4 =	vmax.f32 v6, $0.0e+00;
	[tilespmem:s30+$0xFFFFFF90] =	vst v3;
	s30 =	smov.u32 s5  }
0x1f4: {  	v5 =	vmax.f32 v5, $0.0e+00;
	v3 =	vld [tilespmem:s5+$0xFFFFFFF0];
	[tilespmem:s5+$0x0] =	vst v4  }
0x1f5: {  	s5 =	sadd.s32 $0x400, s5;
	v4 =	vld [tilespmem:s30+$0xFFFFFF90];
	[tilespmem:s30+$0xFFFFFFA0] =	vst v5;
	v5 =	vmax.f32 v7, $0.0e+00  }
0x1f6: {  	[tilespmem:s30+$0xFFFFFFB0] =	vst v5;
	v2 =	vmax.f32 v2, $0.0e+00  }
0x1f7: {  	[tilespmem:s30+$0xFFFFFFC0] =	vst v2;
	v1 =	vmax.f32 v1, $0.0e+00  }
0x1f8: {  	[tilespmem:s30+$0xFFFFFFD0] =	vst v1;
	v0 =	vmax.f32 v0, $0.0e+00  }
0x1f9: {  	[tilespmem:s30+$0xFFFFFFE0] =	vst v0;
	v0 =	vmax.f32 v3, $0.0e+00  }
0x1fa: {  	v1 =	vmax.f32 v4, $0.0e+00;
	[tilespmem:s30+$0xFFFFFFF0] =	vst v0  }
0x1fb: {  	[tilespmem:s30+$0xFFFFFF90] =	vst v1  }
0x1fc: {  	v3 =	vld [tilespmem:s0+$0x0]  }
0x1fd: {  	v4 =	vld [tilespmem:s0+$0xFFFFFFA0]  }
0x1fe: {  	v5 =	vld [tilespmem:s0+$0xFFFFFFB0]  }
0x1ff: {  	v2 =	vld [tilespmem:s0+$0xFFFFFFC0]  }
0x200: {  	v1 =	vld [tilespmem:s0+$0xFFFFFFD0]  }
0x201: {  	v0 =	vld [tilespmem:s0+$0xFFFFFFE0];
	v6 =	vmax.f32 v3, $0.0e+00  }
0x202: {  	v7 =	vmax.f32 v4, $0.0e+00;
	v3 =	vld [tilespmem:s0+$0xFFFFFFF0];
	[tilespmem:s0+$0x0] =	vst v6  }
0x203: {  	s2 =	simm.s32 $0x0;
	s5 =	simm.s32 $0x86F0;
	s30 =	simm.s32 $0x8370;
	v4 =	vld [tilespmem:s0+$0xFFFFFF90];
	v5 =	vmax.f32 v5, $0.0e+00;
	[tilespmem:s0+$0xFFFFFFA0] =	vst v7  }
.LBB2_45:
0x204: {  	v6 =	vld [tilespmem:s5+$0x0];
	s2 =	sadd.s32 $0x8, s2;
	[tilespmem:s0+$0xFFFFFFB0] =	vst v5;
	v2 =	vmax.f32 v2, $0.0e+00  }
0x205: {  	v5 =	vld [tilespmem:s5+$0xFFFFFFA0];
	p1 =	slt.u32 s2, $0x78;
	[tilespmem:s0+$0xFFFFFFC0] =	vst v2;
	v1 =	vmax.f32 v1, $0.0e+00  }
0x206: {  	v7 =	vld [tilespmem:s5+$0xFFFFFFB0];
	[tilespmem:s0+$0xFFFFFFD0] =	vst v1;
	v0 =	vmax.f32 v0, $0.0e+00  }
.Ltmp21:
0x207: {  	v2 =	vld [tilespmem:s5+$0xFFFFFFC0];
	[tilespmem:s0+$0xFFFFFFE0] =	vst v0;
	v0 =	vmax.f32 v3, $0.0e+00;
	(pc) =	sbr.rel @p1 .LBB2_45-.Ltmp21, $4  }
0x208: {  	v1 =	vld [tilespmem:s5+$0xFFFFFFD0];
	v3 =	vmax.f32 v4, $0.0e+00;
	[tilespmem:s0+$0xFFFFFFF0] =	vst v0  }
0x209: {  	v0 =	vld [tilespmem:s5+$0xFFFFFFE0];
	v4 =	vmax.f32 v6, $0.0e+00;
	[tilespmem:s0+$0xFFFFFF90] =	vst v3;
	s0 =	smov.u32 s5  }
0x20a: {  	v5 =	vmax.f32 v5, $0.0e+00;
	v3 =	vld [tilespmem:s5+$0xFFFFFFF0];
	[tilespmem:s5+$0x0] =	vst v4  }
0x20b: {  	s5 =	sadd.s32 $0x400, s5;
	v4 =	vld [tilespmem:s0+$0xFFFFFF90];
	[tilespmem:s0+$0xFFFFFFA0] =	vst v5;
	v5 =	vmax.f32 v7, $0.0e+00  }
0x20c: {  	[tilespmem:s0+$0xFFFFFFB0] =	vst v5;
	v2 =	vmax.f32 v2, $0.0e+00  }
0x20d: {  	[tilespmem:s0+$0xFFFFFFC0] =	vst v2;
	v1 =	vmax.f32 v1, $0.0e+00  }
0x20e: {  	[tilespmem:s0+$0xFFFFFFD0] =	vst v1;
	v0 =	vmax.f32 v0, $0.0e+00  }
0x20f: {  	[tilespmem:s0+$0xFFFFFFE0] =	vst v0;
	v0 =	vmax.f32 v3, $0.0e+00  }
0x210: {  	v1 =	vmax.f32 v4, $0.0e+00;
	[tilespmem:s0+$0xFFFFFFF0] =	vst v0  }
0x211: {  	[tilespmem:s0+$0xFFFFFF90] =	vst v1  }
0x212: {  	v3 =	vld [tilespmem:s30+$0x0]  }
0x213: {  	v4 =	vld [tilespmem:s30+$0xFFFFFFA0]  }
0x214: {  	v5 =	vld [tilespmem:s30+$0xFFFFFFB0]  }
0x215: {  	v2 =	vld [tilespmem:s30+$0xFFFFFFC0]  }
0x216: {  	v1 =	vld [tilespmem:s30+$0xFFFFFFD0]  }
0x217: {  	v0 =	vld [tilespmem:s30+$0xFFFFFFE0];
	v6 =	vmax.f32 v3, $0.0e+00  }
0x218: {  	v7 =	vmax.f32 v4, $0.0e+00;
	v3 =	vld [tilespmem:s30+$0xFFFFFFF0];
	[tilespmem:s30+$0x0] =	vst v6  }
0x219: {  	s2 =	simm.s32 $0x0;
	s5 =	simm.s32 $0x8770;
	s0 =	simm.s32 $0x83F0;
	v4 =	vld [tilespmem:s30+$0xFFFFFF90];
	v5 =	vmax.f32 v5, $0.0e+00;
	[tilespmem:s30+$0xFFFFFFA0] =	vst v7  }
.LBB2_47:
0x21a: {  	v6 =	vld [tilespmem:s5+$0x0];
	s2 =	sadd.s32 $0x8, s2;
	[tilespmem:s30+$0xFFFFFFB0] =	vst v5;
	v2 =	vmax.f32 v2, $0.0e+00  }
0x21b: {  	v5 =	vld [tilespmem:s5+$0xFFFFFFA0];
	p1 =	slt.u32 s2, $0x78;
	[tilespmem:s30+$0xFFFFFFC0] =	vst v2;
	v1 =	vmax.f32 v1, $0.0e+00  }
0x21c: {  	v7 =	vld [tilespmem:s5+$0xFFFFFFB0];
	[tilespmem:s30+$0xFFFFFFD0] =	vst v1;
	v0 =	vmax.f32 v0, $0.0e+00  }
.Ltmp22:
0x21d: {  	v2 =	vld [tilespmem:s5+$0xFFFFFFC0];
	[tilespmem:s30+$0xFFFFFFE0] =	vst v0;
	v0 =	vmax.f32 v3, $0.0e+00;
	(pc) =	sbr.rel @p1 .LBB2_47-.Ltmp22, $4  }
0x21e: {  	v1 =	vld [tilespmem:s5+$0xFFFFFFD0];
	v3 =	vmax.f32 v4, $0.0e+00;
	[tilespmem:s30+$0xFFFFFFF0] =	vst v0  }
0x21f: {  	v0 =	vld [tilespmem:s5+$0xFFFFFFE0];
	v4 =	vmax.f32 v6, $0.0e+00;
	[tilespmem:s30+$0xFFFFFF90] =	vst v3;
	s30 =	smov.u32 s5  }
0x220: {  	v5 =	vmax.f32 v5, $0.0e+00;
	v3 =	vld [tilespmem:s5+$0xFFFFFFF0];
	[tilespmem:s5+$0x0] =	vst v4  }
0x221: {  	s5 =	sadd.s32 $0x400, s5;
	v4 =	vld [tilespmem:s30+$0xFFFFFF90];
	[tilespmem:s30+$0xFFFFFFA0] =	vst v5;
	v5 =	vmax.f32 v7, $0.0e+00  }
0x222: {  	[tilespmem:s30+$0xFFFFFFB0] =	vst v5;
	v2 =	vmax.f32 v2, $0.0e+00  }
0x223: {  	[tilespmem:s30+$0xFFFFFFC0] =	vst v2;
	v1 =	vmax.f32 v1, $0.0e+00  }
0x224: {  	[tilespmem:s30+$0xFFFFFFD0] =	vst v1;
	v0 =	vmax.f32 v0, $0.0e+00  }
0x225: {  	[tilespmem:s30+$0xFFFFFFE0] =	vst v0;
	v0 =	vmax.f32 v3, $0.0e+00  }
0x226: {  	v1 =	vmax.f32 v4, $0.0e+00;
	[tilespmem:s30+$0xFFFFFFF0] =	vst v0  }
0x227: {  	[tilespmem:s30+$0xFFFFFF90] =	vst v1  }
0x228: {  	v3 =	vld [tilespmem:s0+$0x0]  }
0x229: {  	v4 =	vld [tilespmem:s0+$0xFFFFFFA0]  }
0x22a: {  	v5 =	vld [tilespmem:s0+$0xFFFFFFB0]  }
0x22b: {  	v2 =	vld [tilespmem:s0+$0xFFFFFFC0]  }
0x22c: {  	v1 =	vld [tilespmem:s0+$0xFFFFFFD0]  }
0x22d: {  	v0 =	vld [tilespmem:s0+$0xFFFFFFE0];
	v6 =	vmax.f32 v3, $0.0e+00  }
0x22e: {  	v7 =	vmax.f32 v4, $0.0e+00;
	v3 =	vld [tilespmem:s0+$0xFFFFFFF0];
	[tilespmem:s0+$0x0] =	vst v6  }
0x22f: {  	s2 =	simm.s32 $0x0;
	s5 =	simm.s32 $0x87F0;
	v4 =	vld [tilespmem:s0+$0xFFFFFF90];
	v5 =	vmax.f32 v5, $0.0e+00;
	[tilespmem:s0+$0xFFFFFFA0] =	vst v7  }
.LBB2_49:
0x230: {  	v6 =	vld [tilespmem:s5+$0x0];
	s2 =	sadd.s32 $0x8, s2;
	[tilespmem:s0+$0xFFFFFFB0] =	vst v5;
	v2 =	vmax.f32 v2, $0.0e+00  }
0x231: {  	v5 =	vld [tilespmem:s5+$0xFFFFFFA0];
	p1 =	slt.u32 s2, $0x78;
	[tilespmem:s0+$0xFFFFFFC0] =	vst v2;
	v1 =	vmax.f32 v1, $0.0e+00  }
0x232: {  	v7 =	vld [tilespmem:s5+$0xFFFFFFB0];
	[tilespmem:s0+$0xFFFFFFD0] =	vst v1;
	v0 =	vmax.f32 v0, $0.0e+00  }
.Ltmp23:
0x233: {  	v2 =	vld [tilespmem:s5+$0xFFFFFFC0];
	[tilespmem:s0+$0xFFFFFFE0] =	vst v0;
	v0 =	vmax.f32 v3, $0.0e+00;
	(pc) =	sbr.rel @p1 .LBB2_49-.Ltmp23, $4  }
0x234: {  	v1 =	vld [tilespmem:s5+$0xFFFFFFD0];
	v3 =	vmax.f32 v4, $0.0e+00;
	[tilespmem:s0+$0xFFFFFFF0] =	vst v0  }
0x235: {  	v0 =	vld [tilespmem:s5+$0xFFFFFFE0];
	v4 =	vmax.f32 v6, $0.0e+00;
	[tilespmem:s0+$0xFFFFFF90] =	vst v3;
	s0 =	smov.u32 s5  }
0x236: {  	v5 =	vmax.f32 v5, $0.0e+00;
	v3 =	vld [tilespmem:s5+$0xFFFFFFF0];
	[tilespmem:s5+$0x0] =	vst v4  }
0x237: {  	s5 =	sadd.s32 $0x400, s5;
	v4 =	vld [tilespmem:s0+$0xFFFFFF90];
	[tilespmem:s0+$0xFFFFFFA0] =	vst v5;
	v5 =	vmax.f32 v7, $0.0e+00  }
0x238: {  	[tilespmem:s0+$0xFFFFFFB0] =	vst v5;
	v2 =	vmax.f32 v2, $0.0e+00  }
0x239: {  	[tilespmem:s0+$0xFFFFFFC0] =	vst v2;
	v1 =	vmax.f32 v1, $0.0e+00  }
0x23a: {  	[tilespmem:s0+$0xFFFFFFD0] =	vst v1;
	v0 =	vmax.f32 v0, $0.0e+00  }
0x23b: {  	[tilespmem:s0+$0xFFFFFFE0] =	vst v0;
	v0 =	vmax.f32 v3, $0.0e+00  }
0x23c: {  	v1 =	vmax.f32 v4, $0.0e+00;
	[tilespmem:s0+$0xFFFFFFF0] =	vst v0  }
0x23d: {  	s31 =	sadd.s32 s3, s29;
	[tilespmem:s0+$0xFFFFFF90] =	vst v1;
	s0 =	simm.s32 @!p0 $0x6  }
0x23e: {  	[hbm4b:s31+s4] =	stream.linear.scatter [tilespmem:s14], [sflag:$0x7], $0x4000, $0x38;
	[tilespmem:$0x10000] =	vst v63  }
0x23f: {  	s2 =	sadd.s32 @!p0 s26, s10;
	_ =	swait.ge @!p0 [sflag:s0], $0x4000  }
0x240: {  	s2 =	sshll.u32 @!p0 s2, $0xB;
	[sflag:s0] =	ssyncset.done @!p0 $0x0  }
0x241: {  	[sflag:s0] =	ssyncadd.s32 @!p0 $0xFFFFC000;
	s0 =	sand.u32 @!p0 $0x1FFFE800, s2  }
0x242: {  	s5 =	simm.s32 @!p0 $0x4000;
	s2 =	simm.s32 @!p0 $0x0;
	s0 =	sadd.s32 @!p0 s1, s0  }
0x243: {  	[tilespmem:s5], [sflag:$0x2] =	stream.linear.gather @!p0 [hbm4b:s0+s2], $0x4000, $0x38;
	[tilespmem:$0x10000] =	vst v63  }
0x244: {  	_ =	swait.ge [sflag:s19], $0x4000  }
0x245: {  	[sflag:s19] =	ssyncset.done $0x0  }
0x246: {  	s26 =	simm.s32 $0xC040;
	[sflag:s19] =	ssyncadd.s32 $0xFFFFC000  }
0x247: {  	v3 =	vld [tilespmem:s26+$0x30]  }
0x248: {  	v4 =	vld [tilespmem:s26+$0xFFFFFFD0]  }
0x249: {  	v5 =	vld [tilespmem:s26+$0xFFFFFFE0]  }
0x24a: {  	v2 =	vld [tilespmem:s26+$0xFFFFFFF0]  }
0x24b: {  	v1 =	vld [tilespmem:s26+$0x0]  }
0x24c: {  	v0 =	vld [tilespmem:s26+$0x10];
	v6 =	vmax.f32 v3, $0.0e+00  }
0x24d: {  	v7 =	vmax.f32 v4, $0.0e+00;
	v3 =	vld [tilespmem:s26+$0x20];
	[tilespmem:s26+$0x30] =	vst v6  }
0x24e: {  	s2 =	simm.s32 $0x0;
	s0 =	simm.s32 $0xC0F0;
	s5 =	simm.s32 $0xC440;
	v4 =	vld [tilespmem:s26+$0xFFFFFFC0];
	v5 =	vmax.f32 v5, $0.0e+00;
	[tilespmem:s26+$0xFFFFFFD0] =	vst v7  }
.LBB2_51:
0x24f: {  	v6 =	vld [tilespmem:s5+$0x30];
	s2 =	sadd.s32 $0x8, s2;
	[tilespmem:s26+$0xFFFFFFE0] =	vst v5;
	v2 =	vmax.f32 v2, $0.0e+00  }
0x250: {  	v5 =	vld [tilespmem:s5+$0xFFFFFFD0];
	p0 =	slt.u32 s2, $0x78;
	[tilespmem:s26+$0xFFFFFFF0] =	vst v2;
	v1 =	vmax.f32 v1, $0.0e+00  }
0x251: {  	v7 =	vld [tilespmem:s5+$0xFFFFFFE0];
	[tilespmem:s26+$0x0] =	vst v1;
	v0 =	vmax.f32 v0, $0.0e+00  }
.Ltmp24:
0x252: {  	v2 =	vld [tilespmem:s5+$0xFFFFFFF0];
	[tilespmem:s26+$0x10] =	vst v0;
	v0 =	vmax.f32 v3, $0.0e+00;
	(pc) =	sbr.rel @p0 .LBB2_51-.Ltmp24, $4  }
0x253: {  	v1 =	vld [tilespmem:s5+$0x0];
	v3 =	vmax.f32 v4, $0.0e+00;
	[tilespmem:s26+$0x20] =	vst v0  }
0x254: {  	v0 =	vld [tilespmem:s5+$0x10];
	v4 =	vmax.f32 v6, $0.0e+00;
	[tilespmem:s26+$0xFFFFFFC0] =	vst v3;
	s26 =	smov.u32 s5  }
0x255: {  	v5 =	vmax.f32 v5, $0.0e+00;
	v3 =	vld [tilespmem:s5+$0x20];
	[tilespmem:s5+$0x30] =	vst v4  }
0x256: {  	s5 =	sadd.s32 $0x400, s5;
	v4 =	vld [tilespmem:s26+$0xFFFFFFC0];
	[tilespmem:s26+$0xFFFFFFD0] =	vst v5;
	v5 =	vmax.f32 v7, $0.0e+00  }
0x257: {  	[tilespmem:s26+$0xFFFFFFE0] =	vst v5;
	v2 =	vmax.f32 v2, $0.0e+00  }
0x258: {  	[tilespmem:s26+$0xFFFFFFF0] =	vst v2;
	v1 =	vmax.f32 v1, $0.0e+00  }
0x259: {  	[tilespmem:s26+$0x0] =	vst v1;
	v0 =	vmax.f32 v0, $0.0e+00  }
0x25a: {  	[tilespmem:s26+$0x10] =	vst v0;
	v0 =	vmax.f32 v3, $0.0e+00  }
0x25b: {  	v1 =	vmax.f32 v4, $0.0e+00;
	[tilespmem:s26+$0x20] =	vst v0  }
0x25c: {  	[tilespmem:s26+$0xFFFFFFC0] =	vst v1  }
0x25d: {  	v3 =	vld [tilespmem:s0+$0x0]  }
0x25e: {  	v4 =	vld [tilespmem:s0+$0xFFFFFFA0]  }
0x25f: {  	v5 =	vld [tilespmem:s0+$0xFFFFFFB0]  }
0x260: {  	v2 =	vld [tilespmem:s0+$0xFFFFFFC0]  }
0x261: {  	v1 =	vld [tilespmem:s0+$0xFFFFFFD0]  }
0x262: {  	v0 =	vld [tilespmem:s0+$0xFFFFFFE0];
	v6 =	vmax.f32 v3, $0.0e+00  }
0x263: {  	v7 =	vmax.f32 v4, $0.0e+00;
	v3 =	vld [tilespmem:s0+$0xFFFFFFF0];
	[tilespmem:s0+$0x0] =	vst v6  }
0x264: {  	s2 =	simm.s32 $0x0;
	s5 =	simm.s32 $0xC4F0;
	s26 =	simm.s32 $0xC170;
	v4 =	vld [tilespmem:s0+$0xFFFFFF90];
	v5 =	vmax.f32 v5, $0.0e+00;
	[tilespmem:s0+$0xFFFFFFA0] =	vst v7  }
.LBB2_53:
0x265: {  	v6 =	vld [tilespmem:s5+$0x0];
	s2 =	sadd.s32 $0x8, s2;
	[tilespmem:s0+$0xFFFFFFB0] =	vst v5;
	v2 =	vmax.f32 v2, $0.0e+00  }
0x266: {  	v5 =	vld [tilespmem:s5+$0xFFFFFFA0];
	p0 =	slt.u32 s2, $0x78;
	[tilespmem:s0+$0xFFFFFFC0] =	vst v2;
	v1 =	vmax.f32 v1, $0.0e+00  }
0x267: {  	v7 =	vld [tilespmem:s5+$0xFFFFFFB0];
	[tilespmem:s0+$0xFFFFFFD0] =	vst v1;
	v0 =	vmax.f32 v0, $0.0e+00  }
.Ltmp25:
0x268: {  	v2 =	vld [tilespmem:s5+$0xFFFFFFC0];
	[tilespmem:s0+$0xFFFFFFE0] =	vst v0;
	v0 =	vmax.f32 v3, $0.0e+00;
	(pc) =	sbr.rel @p0 .LBB2_53-.Ltmp25, $4  }
0x269: {  	v1 =	vld [tilespmem:s5+$0xFFFFFFD0];
	v3 =	vmax.f32 v4, $0.0e+00;
	[tilespmem:s0+$0xFFFFFFF0] =	vst v0  }
0x26a: {  	v0 =	vld [tilespmem:s5+$0xFFFFFFE0];
	v4 =	vmax.f32 v6, $0.0e+00;
	[tilespmem:s0+$0xFFFFFF90] =	vst v3;
	s0 =	smov.u32 s5  }
0x26b: {  	v5 =	vmax.f32 v5, $0.0e+00;
	v3 =	vld [tilespmem:s5+$0xFFFFFFF0];
	[tilespmem:s5+$0x0] =	vst v4  }
0x26c: {  	s5 =	sadd.s32 $0x400, s5;
	v4 =	vld [tilespmem:s0+$0xFFFFFF90];
	[tilespmem:s0+$0xFFFFFFA0] =	vst v5;
	v5 =	vmax.f32 v7, $0.0e+00  }
0x26d: {  	[tilespmem:s0+$0xFFFFFFB0] =	vst v5;
	v2 =	vmax.f32 v2, $0.0e+00  }
0x26e: {  	[tilespmem:s0+$0xFFFFFFC0] =	vst v2;
	v1 =	vmax.f32 v1, $0.0e+00  }
0x26f: {  	[tilespmem:s0+$0xFFFFFFD0] =	vst v1;
	v0 =	vmax.f32 v0, $0.0e+00  }
0x270: {  	[tilespmem:s0+$0xFFFFFFE0] =	vst v0;
	v0 =	vmax.f32 v3, $0.0e+00  }
0x271: {  	v1 =	vmax.f32 v4, $0.0e+00;
	[tilespmem:s0+$0xFFFFFFF0] =	vst v0  }
0x272: {  	[tilespmem:s0+$0xFFFFFF90] =	vst v1  }
0x273: {  	v3 =	vld [tilespmem:s26+$0x0]  }
0x274: {  	v4 =	vld [tilespmem:s26+$0xFFFFFFA0]  }
0x275: {  	v5 =	vld [tilespmem:s26+$0xFFFFFFB0]  }
0x276: {  	v2 =	vld [tilespmem:s26+$0xFFFFFFC0]  }
0x277: {  	v1 =	vld [tilespmem:s26+$0xFFFFFFD0]  }
0x278: {  	v0 =	vld [tilespmem:s26+$0xFFFFFFE0];
	v6 =	vmax.f32 v3, $0.0e+00  }
0x279: {  	v7 =	vmax.f32 v4, $0.0e+00;
	v3 =	vld [tilespmem:s26+$0xFFFFFFF0];
	[tilespmem:s26+$0x0] =	vst v6  }
0x27a: {  	s2 =	simm.s32 $0x0;
	s5 =	simm.s32 $0xC570;
	s0 =	simm.s32 $0xC1F0;
	v4 =	vld [tilespmem:s26+$0xFFFFFF90];
	v5 =	vmax.f32 v5, $0.0e+00;
	[tilespmem:s26+$0xFFFFFFA0] =	vst v7  }
.LBB2_55:
0x27b: {  	v6 =	vld [tilespmem:s5+$0x0];
	s2 =	sadd.s32 $0x8, s2;
	[tilespmem:s26+$0xFFFFFFB0] =	vst v5;
	v2 =	vmax.f32 v2, $0.0e+00  }
0x27c: {  	v5 =	vld [tilespmem:s5+$0xFFFFFFA0];
	p0 =	slt.u32 s2, $0x78;
	[tilespmem:s26+$0xFFFFFFC0] =	vst v2;
	v1 =	vmax.f32 v1, $0.0e+00  }
0x27d: {  	v7 =	vld [tilespmem:s5+$0xFFFFFFB0];
	[tilespmem:s26+$0xFFFFFFD0] =	vst v1;
	v0 =	vmax.f32 v0, $0.0e+00  }
.Ltmp26:
0x27e: {  	v2 =	vld [tilespmem:s5+$0xFFFFFFC0];
	[tilespmem:s26+$0xFFFFFFE0] =	vst v0;
	v0 =	vmax.f32 v3, $0.0e+00;
	(pc) =	sbr.rel @p0 .LBB2_55-.Ltmp26, $4  }
0x27f: {  	v1 =	vld [tilespmem:s5+$0xFFFFFFD0];
	v3 =	vmax.f32 v4, $0.0e+00;
	[tilespmem:s26+$0xFFFFFFF0] =	vst v0  }
0x280: {  	v0 =	vld [tilespmem:s5+$0xFFFFFFE0];
	v4 =	vmax.f32 v6, $0.0e+00;
	[tilespmem:s26+$0xFFFFFF90] =	vst v3;
	s26 =	smov.u32 s5  }
0x281: {  	v5 =	vmax.f32 v5, $0.0e+00;
	v3 =	vld [tilespmem:s5+$0xFFFFFFF0];
	[tilespmem:s5+$0x0] =	vst v4  }
0x282: {  	s5 =	sadd.s32 $0x400, s5;
	v4 =	vld [tilespmem:s26+$0xFFFFFF90];
	[tilespmem:s26+$0xFFFFFFA0] =	vst v5;
	v5 =	vmax.f32 v7, $0.0e+00  }
0x283: {  	[tilespmem:s26+$0xFFFFFFB0] =	vst v5;
	v2 =	vmax.f32 v2, $0.0e+00  }
0x284: {  	[tilespmem:s26+$0xFFFFFFC0] =	vst v2;
	v1 =	vmax.f32 v1, $0.0e+00  }
0x285: {  	[tilespmem:s26+$0xFFFFFFD0] =	vst v1;
	v0 =	vmax.f32 v0, $0.0e+00  }
0x286: {  	[tilespmem:s26+$0xFFFFFFE0] =	vst v0;
	v0 =	vmax.f32 v3, $0.0e+00  }
0x287: {  	v1 =	vmax.f32 v4, $0.0e+00;
	[tilespmem:s26+$0xFFFFFFF0] =	vst v0  }
0x288: {  	[tilespmem:s26+$0xFFFFFF90] =	vst v1  }
0x289: {  	v3 =	vld [tilespmem:s0+$0x0]  }
0x28a: {  	v4 =	vld [tilespmem:s0+$0xFFFFFFA0]  }
0x28b: {  	v5 =	vld [tilespmem:s0+$0xFFFFFFB0]  }
0x28c: {  	v2 =	vld [tilespmem:s0+$0xFFFFFFC0]  }
0x28d: {  	v1 =	vld [tilespmem:s0+$0xFFFFFFD0]  }
0x28e: {  	v0 =	vld [tilespmem:s0+$0xFFFFFFE0];
	v6 =	vmax.f32 v3, $0.0e+00  }
0x28f: {  	v7 =	vmax.f32 v4, $0.0e+00;
	v3 =	vld [tilespmem:s0+$0xFFFFFFF0];
	[tilespmem:s0+$0x0] =	vst v6  }
0x290: {  	s2 =	simm.s32 $0x0;
	s5 =	simm.s32 $0xC5F0;
	s26 =	simm.s32 $0xC270;
	v4 =	vld [tilespmem:s0+$0xFFFFFF90];
	v5 =	vmax.f32 v5, $0.0e+00;
	[tilespmem:s0+$0xFFFFFFA0] =	vst v7  }
.LBB2_57:
0x291: {  	v6 =	vld [tilespmem:s5+$0x0];
	s2 =	sadd.s32 $0x8, s2;
	[tilespmem:s0+$0xFFFFFFB0] =	vst v5;
	v2 =	vmax.f32 v2, $0.0e+00  }
0x292: {  	v5 =	vld [tilespmem:s5+$0xFFFFFFA0];
	p0 =	slt.u32 s2, $0x78;
	[tilespmem:s0+$0xFFFFFFC0] =	vst v2;
	v1 =	vmax.f32 v1, $0.0e+00  }
0x293: {  	v7 =	vld [tilespmem:s5+$0xFFFFFFB0];
	[tilespmem:s0+$0xFFFFFFD0] =	vst v1;
	v0 =	vmax.f32 v0, $0.0e+00  }
.Ltmp27:
0x294: {  	v2 =	vld [tilespmem:s5+$0xFFFFFFC0];
	[tilespmem:s0+$0xFFFFFFE0] =	vst v0;
	v0 =	vmax.f32 v3, $0.0e+00;
	(pc) =	sbr.rel @p0 .LBB2_57-.Ltmp27, $4  }
0x295: {  	v1 =	vld [tilespmem:s5+$0xFFFFFFD0];
	v3 =	vmax.f32 v4, $0.0e+00;
	[tilespmem:s0+$0xFFFFFFF0] =	vst v0  }
0x296: {  	v0 =	vld [tilespmem:s5+$0xFFFFFFE0];
	v4 =	vmax.f32 v6, $0.0e+00;
	[tilespmem:s0+$0xFFFFFF90] =	vst v3;
	s0 =	smov.u32 s5  }
0x297: {  	v5 =	vmax.f32 v5, $0.0e+00;
	v3 =	vld [tilespmem:s5+$0xFFFFFFF0];
	[tilespmem:s5+$0x0] =	vst v4  }
0x298: {  	s5 =	sadd.s32 $0x400, s5;
	v4 =	vld [tilespmem:s0+$0xFFFFFF90];
	[tilespmem:s0+$0xFFFFFFA0] =	vst v5;
	v5 =	vmax.f32 v7, $0.0e+00  }
0x299: {  	[tilespmem:s0+$0xFFFFFFB0] =	vst v5;
	v2 =	vmax.f32 v2, $0.0e+00  }
0x29a: {  	[tilespmem:s0+$0xFFFFFFC0] =	vst v2;
	v1 =	vmax.f32 v1, $0.0e+00  }
0x29b: {  	[tilespmem:s0+$0xFFFFFFD0] =	vst v1;
	v0 =	vmax.f32 v0, $0.0e+00  }
0x29c: {  	[tilespmem:s0+$0xFFFFFFE0] =	vst v0;
	v0 =	vmax.f32 v3, $0.0e+00  }
0x29d: {  	v1 =	vmax.f32 v4, $0.0e+00;
	[tilespmem:s0+$0xFFFFFFF0] =	vst v0  }
0x29e: {  	[tilespmem:s0+$0xFFFFFF90] =	vst v1  }
0x29f: {  	v3 =	vld [tilespmem:s26+$0x0]  }
0x2a0: {  	v4 =	vld [tilespmem:s26+$0xFFFFFFA0]  }
0x2a1: {  	v5 =	vld [tilespmem:s26+$0xFFFFFFB0]  }
0x2a2: {  	v2 =	vld [tilespmem:s26+$0xFFFFFFC0]  }
0x2a3: {  	v1 =	vld [tilespmem:s26+$0xFFFFFFD0]  }
0x2a4: {  	v0 =	vld [tilespmem:s26+$0xFFFFFFE0];
	v6 =	vmax.f32 v3, $0.0e+00  }
0x2a5: {  	v7 =	vmax.f32 v4, $0.0e+00;
	v3 =	vld [tilespmem:s26+$0xFFFFFFF0];
	[tilespmem:s26+$0x0] =	vst v6  }
0x2a6: {  	s2 =	simm.s32 $0x0;
	s5 =	simm.s32 $0xC670;
	s0 =	simm.s32 $0xC2F0;
	v4 =	vld [tilespmem:s26+$0xFFFFFF90];
	v5 =	vmax.f32 v5, $0.0e+00;
	[tilespmem:s26+$0xFFFFFFA0] =	vst v7  }
.LBB2_59:
0x2a7: {  	v6 =	vld [tilespmem:s5+$0x0];
	s2 =	sadd.s32 $0x8, s2;
	[tilespmem:s26+$0xFFFFFFB0] =	vst v5;
	v2 =	vmax.f32 v2, $0.0e+00  }
0x2a8: {  	v5 =	vld [tilespmem:s5+$0xFFFFFFA0];
	p0 =	slt.u32 s2, $0x78;
	[tilespmem:s26+$0xFFFFFFC0] =	vst v2;
	v1 =	vmax.f32 v1, $0.0e+00  }
0x2a9: {  	v7 =	vld [tilespmem:s5+$0xFFFFFFB0];
	[tilespmem:s26+$0xFFFFFFD0] =	vst v1;
	v0 =	vmax.f32 v0, $0.0e+00  }
.Ltmp28:
0x2aa: {  	v2 =	vld [tilespmem:s5+$0xFFFFFFC0];
	[tilespmem:s26+$0xFFFFFFE0] =	vst v0;
	v0 =	vmax.f32 v3, $0.0e+00;
	(pc) =	sbr.rel @p0 .LBB2_59-.Ltmp28, $4  }
0x2ab: {  	v1 =	vld [tilespmem:s5+$0xFFFFFFD0];
	v3 =	vmax.f32 v4, $0.0e+00;
	[tilespmem:s26+$0xFFFFFFF0] =	vst v0  }
0x2ac: {  	v0 =	vld [tilespmem:s5+$0xFFFFFFE0];
	v4 =	vmax.f32 v6, $0.0e+00;
	[tilespmem:s26+$0xFFFFFF90] =	vst v3;
	s26 =	smov.u32 s5  }
0x2ad: {  	v5 =	vmax.f32 v5, $0.0e+00;
	v3 =	vld [tilespmem:s5+$0xFFFFFFF0];
	[tilespmem:s5+$0x0] =	vst v4  }
0x2ae: {  	s5 =	sadd.s32 $0x400, s5;
	v4 =	vld [tilespmem:s26+$0xFFFFFF90];
	[tilespmem:s26+$0xFFFFFFA0] =	vst v5;
	v5 =	vmax.f32 v7, $0.0e+00  }
0x2af: {  	[tilespmem:s26+$0xFFFFFFB0] =	vst v5;
	v2 =	vmax.f32 v2, $0.0e+00  }
0x2b0: {  	[tilespmem:s26+$0xFFFFFFC0] =	vst v2;
	v1 =	vmax.f32 v1, $0.0e+00  }
0x2b1: {  	[tilespmem:s26+$0xFFFFFFD0] =	vst v1;
	v0 =	vmax.f32 v0, $0.0e+00  }
0x2b2: {  	[tilespmem:s26+$0xFFFFFFE0] =	vst v0;
	v0 =	vmax.f32 v3, $0.0e+00  }
0x2b3: {  	v1 =	vmax.f32 v4, $0.0e+00;
	[tilespmem:s26+$0xFFFFFFF0] =	vst v0  }
0x2b4: {  	[tilespmem:s26+$0xFFFFFF90] =	vst v1  }
0x2b5: {  	v3 =	vld [tilespmem:s0+$0x0]  }
0x2b6: {  	v4 =	vld [tilespmem:s0+$0xFFFFFFA0]  }
0x2b7: {  	v5 =	vld [tilespmem:s0+$0xFFFFFFB0]  }
0x2b8: {  	v2 =	vld [tilespmem:s0+$0xFFFFFFC0]  }
0x2b9: {  	v1 =	vld [tilespmem:s0+$0xFFFFFFD0]  }
0x2ba: {  	v0 =	vld [tilespmem:s0+$0xFFFFFFE0];
	v6 =	vmax.f32 v3, $0.0e+00  }
0x2bb: {  	v7 =	vmax.f32 v4, $0.0e+00;
	v3 =	vld [tilespmem:s0+$0xFFFFFFF0];
	[tilespmem:s0+$0x0] =	vst v6  }
0x2bc: {  	s2 =	simm.s32 $0x0;
	s5 =	simm.s32 $0xC6F0;
	s26 =	simm.s32 $0xC370;
	v4 =	vld [tilespmem:s0+$0xFFFFFF90];
	v5 =	vmax.f32 v5, $0.0e+00;
	[tilespmem:s0+$0xFFFFFFA0] =	vst v7  }
.LBB2_61:
0x2bd: {  	v6 =	vld [tilespmem:s5+$0x0];
	s2 =	sadd.s32 $0x8, s2;
	[tilespmem:s0+$0xFFFFFFB0] =	vst v5;
	v2 =	vmax.f32 v2, $0.0e+00  }
0x2be: {  	v5 =	vld [tilespmem:s5+$0xFFFFFFA0];
	p0 =	slt.u32 s2, $0x78;
	[tilespmem:s0+$0xFFFFFFC0] =	vst v2;
	v1 =	vmax.f32 v1, $0.0e+00  }
0x2bf: {  	v7 =	vld [tilespmem:s5+$0xFFFFFFB0];
	[tilespmem:s0+$0xFFFFFFD0] =	vst v1;
	v0 =	vmax.f32 v0, $0.0e+00  }
.Ltmp29:
0x2c0: {  	v2 =	vld [tilespmem:s5+$0xFFFFFFC0];
	[tilespmem:s0+$0xFFFFFFE0] =	vst v0;
	v0 =	vmax.f32 v3, $0.0e+00;
	(pc) =	sbr.rel @p0 .LBB2_61-.Ltmp29, $4  }
0x2c1: {  	v1 =	vld [tilespmem:s5+$0xFFFFFFD0];
	v3 =	vmax.f32 v4, $0.0e+00;
	[tilespmem:s0+$0xFFFFFFF0] =	vst v0  }
0x2c2: {  	v0 =	vld [tilespmem:s5+$0xFFFFFFE0];
	v4 =	vmax.f32 v6, $0.0e+00;
	[tilespmem:s0+$0xFFFFFF90] =	vst v3;
	s0 =	smov.u32 s5  }
0x2c3: {  	v5 =	vmax.f32 v5, $0.0e+00;
	v3 =	vld [tilespmem:s5+$0xFFFFFFF0];
	[tilespmem:s5+$0x0] =	vst v4  }
0x2c4: {  	s5 =	sadd.s32 $0x400, s5;
	v4 =	vld [tilespmem:s0+$0xFFFFFF90];
	[tilespmem:s0+$0xFFFFFFA0] =	vst v5;
	v5 =	vmax.f32 v7, $0.0e+00  }
0x2c5: {  	[tilespmem:s0+$0xFFFFFFB0] =	vst v5;
	v2 =	vmax.f32 v2, $0.0e+00  }
0x2c6: {  	[tilespmem:s0+$0xFFFFFFC0] =	vst v2;
	v1 =	vmax.f32 v1, $0.0e+00  }
0x2c7: {  	[tilespmem:s0+$0xFFFFFFD0] =	vst v1;
	v0 =	vmax.f32 v0, $0.0e+00  }
0x2c8: {  	[tilespmem:s0+$0xFFFFFFE0] =	vst v0;
	v0 =	vmax.f32 v3, $0.0e+00  }
0x2c9: {  	v1 =	vmax.f32 v4, $0.0e+00;
	[tilespmem:s0+$0xFFFFFFF0] =	vst v0  }
0x2ca: {  	[tilespmem:s0+$0xFFFFFF90] =	vst v1  }
0x2cb: {  	v3 =	vld [tilespmem:s26+$0x0]  }
0x2cc: {  	v4 =	vld [tilespmem:s26+$0xFFFFFFA0]  }
0x2cd: {  	v5 =	vld [tilespmem:s26+$0xFFFFFFB0]  }
0x2ce: {  	v2 =	vld [tilespmem:s26+$0xFFFFFFC0]  }
0x2cf: {  	v1 =	vld [tilespmem:s26+$0xFFFFFFD0]  }
0x2d0: {  	v0 =	vld [tilespmem:s26+$0xFFFFFFE0];
	v6 =	vmax.f32 v3, $0.0e+00  }
0x2d1: {  	v7 =	vmax.f32 v4, $0.0e+00;
	v3 =	vld [tilespmem:s26+$0xFFFFFFF0];
	[tilespmem:s26+$0x0] =	vst v6  }
0x2d2: {  	s2 =	simm.s32 $0x0;
	s5 =	simm.s32 $0xC770;
	s0 =	simm.s32 $0xC3F0;
	v4 =	vld [tilespmem:s26+$0xFFFFFF90];
	v5 =	vmax.f32 v5, $0.0e+00;
	[tilespmem:s26+$0xFFFFFFA0] =	vst v7  }
.LBB2_63:
0x2d3: {  	v6 =	vld [tilespmem:s5+$0x0];
	s2 =	sadd.s32 $0x8, s2;
	[tilespmem:s26+$0xFFFFFFB0] =	vst v5;
	v2 =	vmax.f32 v2, $0.0e+00  }
0x2d4: {  	v5 =	vld [tilespmem:s5+$0xFFFFFFA0];
	p0 =	slt.u32 s2, $0x78;
	[tilespmem:s26+$0xFFFFFFC0] =	vst v2;
	v1 =	vmax.f32 v1, $0.0e+00  }
0x2d5: {  	v7 =	vld [tilespmem:s5+$0xFFFFFFB0];
	[tilespmem:s26+$0xFFFFFFD0] =	vst v1;
	v0 =	vmax.f32 v0, $0.0e+00  }
.Ltmp30:
0x2d6: {  	v2 =	vld [tilespmem:s5+$0xFFFFFFC0];
	[tilespmem:s26+$0xFFFFFFE0] =	vst v0;
	v0 =	vmax.f32 v3, $0.0e+00;
	(pc) =	sbr.rel @p0 .LBB2_63-.Ltmp30, $4  }
0x2d7: {  	v1 =	vld [tilespmem:s5+$0xFFFFFFD0];
	v3 =	vmax.f32 v4, $0.0e+00;
	[tilespmem:s26+$0xFFFFFFF0] =	vst v0  }
0x2d8: {  	v0 =	vld [tilespmem:s5+$0xFFFFFFE0];
	v4 =	vmax.f32 v6, $0.0e+00;
	[tilespmem:s26+$0xFFFFFF90] =	vst v3;
	s26 =	smov.u32 s5  }
0x2d9: {  	v5 =	vmax.f32 v5, $0.0e+00;
	v3 =	vld [tilespmem:s5+$0xFFFFFFF0];
	[tilespmem:s5+$0x0] =	vst v4  }
0x2da: {  	s5 =	sadd.s32 $0x400, s5;
	v4 =	vld [tilespmem:s26+$0xFFFFFF90];
	[tilespmem:s26+$0xFFFFFFA0] =	vst v5;
	v5 =	vmax.f32 v7, $0.0e+00  }
0x2db: {  	[tilespmem:s26+$0xFFFFFFB0] =	vst v5;
	v2 =	vmax.f32 v2, $0.0e+00  }
0x2dc: {  	[tilespmem:s26+$0xFFFFFFC0] =	vst v2;
	v1 =	vmax.f32 v1, $0.0e+00  }
0x2dd: {  	[tilespmem:s26+$0xFFFFFFD0] =	vst v1;
	v0 =	vmax.f32 v0, $0.0e+00  }
0x2de: {  	[tilespmem:s26+$0xFFFFFFE0] =	vst v0;
	v0 =	vmax.f32 v3, $0.0e+00  }
0x2df: {  	v1 =	vmax.f32 v4, $0.0e+00;
	[tilespmem:s26+$0xFFFFFFF0] =	vst v0  }
0x2e0: {  	[tilespmem:s26+$0xFFFFFF90] =	vst v1  }
0x2e1: {  	v3 =	vld [tilespmem:s0+$0x0]  }
0x2e2: {  	v4 =	vld [tilespmem:s0+$0xFFFFFFA0]  }
0x2e3: {  	v5 =	vld [tilespmem:s0+$0xFFFFFFB0]  }
0x2e4: {  	v2 =	vld [tilespmem:s0+$0xFFFFFFC0]  }
0x2e5: {  	v1 =	vld [tilespmem:s0+$0xFFFFFFD0]  }
0x2e6: {  	v0 =	vld [tilespmem:s0+$0xFFFFFFE0];
	v6 =	vmax.f32 v3, $0.0e+00  }
0x2e7: {  	v7 =	vmax.f32 v4, $0.0e+00;
	v3 =	vld [tilespmem:s0+$0xFFFFFFF0];
	[tilespmem:s0+$0x0] =	vst v6  }
0x2e8: {  	s2 =	simm.s32 $0x0;
	s5 =	simm.s32 $0xC7F0;
	v4 =	vld [tilespmem:s0+$0xFFFFFF90];
	v5 =	vmax.f32 v5, $0.0e+00;
	[tilespmem:s0+$0xFFFFFFA0] =	vst v7  }
.LBB2_65:
0x2e9: {  	v6 =	vld [tilespmem:s5+$0x0];
	s2 =	sadd.s32 $0x8, s2;
	[tilespmem:s0+$0xFFFFFFB0] =	vst v5;
	v2 =	vmax.f32 v2, $0.0e+00  }
0x2ea: {  	v5 =	vld [tilespmem:s5+$0xFFFFFFA0];
	p0 =	slt.u32 s2, $0x78;
	[tilespmem:s0+$0xFFFFFFC0] =	vst v2;
	v1 =	vmax.f32 v1, $0.0e+00  }
0x2eb: {  	v7 =	vld [tilespmem:s5+$0xFFFFFFB0];
	[tilespmem:s0+$0xFFFFFFD0] =	vst v1;
	v0 =	vmax.f32 v0, $0.0e+00  }
.Ltmp31:
0x2ec: {  	v2 =	vld [tilespmem:s5+$0xFFFFFFC0];
	[tilespmem:s0+$0xFFFFFFE0] =	vst v0;
	v0 =	vmax.f32 v3, $0.0e+00;
	(pc) =	sbr.rel @p0 .LBB2_65-.Ltmp31, $4  }
0x2ed: {  	v1 =	vld [tilespmem:s5+$0xFFFFFFD0];
	v3 =	vmax.f32 v4, $0.0e+00;
	[tilespmem:s0+$0xFFFFFFF0] =	vst v0  }
0x2ee: {  	v0 =	vld [tilespmem:s5+$0xFFFFFFE0];
	v4 =	vmax.f32 v6, $0.0e+00;
	[tilespmem:s0+$0xFFFFFF90] =	vst v3;
	s0 =	smov.u32 s5  }
0x2ef: {  	v5 =	vmax.f32 v5, $0.0e+00;
	v3 =	vld [tilespmem:s5+$0xFFFFFFF0];
	[tilespmem:s5+$0x0] =	vst v4  }
0x2f0: {  	s5 =	sadd.s32 $0x400, s5;
	v4 =	vld [tilespmem:s0+$0xFFFFFF90];
	[tilespmem:s0+$0xFFFFFFA0] =	vst v5;
	v5 =	vmax.f32 v7, $0.0e+00  }
0x2f1: {  	[tilespmem:s0+$0xFFFFFFB0] =	vst v5;
	v2 =	vmax.f32 v2, $0.0e+00;
	s25 =	sadd.s32 $0x1, s25  }
0x2f2: {  	[tilespmem:s0+$0xFFFFFFC0] =	vst v2;
	v1 =	vmax.f32 v1, $0.0e+00;
	p0 =	sne.s32 s25, $0x4  }
.Ltmp32:
0x2f3: {  	[tilespmem:s0+$0xFFFFFFD0] =	vst v1;
	v0 =	vmax.f32 v0, $0.0e+00;
	(pc) =	sbr.rel @p0 .LBB2_2-.Ltmp32, $4  }
0x2f4: {  	[tilespmem:s0+$0xFFFFFFE0] =	vst v0;
	v62 =	vmax.f32 v3, $0.0e+00  }
0x2f5: {  	v63 =	vmax.f32 v4, $0.0e+00;
	[tilespmem:s0+$0xFFFFFFF0] =	vst v62  }
0x2f6: {  	s31 =	sadd.s32 s3, s28;
	[tilespmem:s0+$0xFFFFFF90] =	vst v63  }
0x2f7: {  	[hbm4b:s31+s4] =	stream.linear.scatter [tilespmem:s16], [sflag:$0x8], $0x4000, $0x38;
	[tilespmem:$0x10000] =	vst v63  }
0x2f8: {  	_ =	swait.ge [sflag:s20], $0x4000  }
0x2f9: {  	[sflag:s20] =	ssyncset.done $0x0  }
0x2fa: {  	[sflag:s20] =	ssyncadd.s32 $0xFFFFC000  }
0x2fb: {  	_ =	swait.ge [sflag:s21], $0x4000  }
0x2fc: {  	[sflag:s21] =	ssyncset.done $0x0  }
0x2fd: {  	s24 =	sadd.s32 $0x1, s24;
	[sflag:s21] =	ssyncadd.s32 $0xFFFFC000  }
0x2fe: {  	p0 =	sne.s32 s24, s11;
	_ =	swait.ge [sflag:s22], $0x4000  }
.Ltmp33:
0x2ff: {  	[sflag:s22] =	ssyncset.done $0x0;
	(pc) =	sbr.rel @p0 .LBB2_1-.Ltmp33, $4  }
0x300: {  	[sflag:s22] =	ssyncadd.s32 $0xFFFFC000  }
0x301: {  	_ =	swait.ge [sflag:s23], $0x4000  }
0x302: {  	[sflag:s23] =	ssyncset.done $0x0  }
0x303: {  	[sflag:s23] =	ssyncadd.s32 $0xFFFFC000  }
0x304: {  	_ =	sfence.sel $0x180000  }
0x305: {  	[bflag:$0x0] =	sbarrier.arrive $0xFFFF  }
0x306: {  	_ =	strace $0x90000047  }
0x307: {  	s0 =	stileid.u32;
	[bflag:$0x2] =	sbarrier.arrive $0xFFFF  }
0x308: {  	p0 =	sne.s32 s0, $0x0;
	s0 =	rddreg [dreg:$0x2]  }
0x309: {  	s0 =	sadd.s32 @!p0 $0x100000, s0  }
0x30a: {  	[sflag:s0] =	ssyncadd.tile.s32 @!p0 $0x1;
	_ =	shalt  }
.Lfunc_end2:
_tile_overlayer_lowered:
.L_overlay_start_2:
0x30b: {  	(tag) =	ssettag $0x2  }
0x30c: {  	s0 =	rddreg [dreg:$0x0];
	s2 =	stileid.u32  }
0x30d: {  	s1 =	rddreg [dreg:$0x1];
	p0 =	sne.s32 s2, $0x0  }
0x30e: {  	s3 =	rddreg [dreg:$0x2];
	[bflag:$0x3] =	sbarrier.arrive $0xFFFF;
	s2 =	simm.s32 @!p0 $0x1C09  }
0x30f: {  	[timem:s3], [sflag:s2] =	dma.local @!p0 [hbm:s0], s1  }
0x310: {  	s0 =	simm.s32 @!p0 $0x9  }
0x311: {  	_ =	swait.ge @!p0 [sflag:s0], s1  }
0x312: {  	s1 =	ssub.s32 @!p0 $0x0, s1;
	[sflag:s0] =	ssyncset.done @!p0 $0x0  }
0x313: {  	[sflag:s0] =	ssyncadd.s32 @!p0 s1  }
0x314: {  	[bflag:$0x3] =	sbarrier.arrive $0xFFFF  }
0x315: {  	_ =	shalt  }

</sc_bundles>
